<compile_context>
chip_gen: v7x
topology: tpu7x:2x2x1
jax: 0.10.2.dev20260603
libtpu: 0.0.44.dev20260713+nightly
codegen_flags: <defaults>
</compile_context>

<pallas_src>
import functools

import jax
import jax.numpy as jnp
from jax import lax
from jax.experimental import pallas as pl
from jax.experimental.pallas import tpu as pltpu
from jax.experimental.pallas import tpu_sc as plsc

_N = 10000
_E = 320000
_D = 128
_H1, _C1 = 8, 8
_F1 = _H1 * _C1
_F2 = 64

_NC, _NS = 2, 16
_NW = _NC * _NS
_EPW = _E // _NW
_K = 80
_CH = _EPW // _K

_R = 2000
_G = _N // _R


def _lrelu(v):
    return jnp.where(v > 0, v, 0.2 * v)


def _prep1_body(x_r, w_r, as_r, ad_r, rep_r, ts_r, td_r, init_r):
    xp = jnp.dot(x_r[:], w_r[:], preferred_element_type=jnp.float32,
                 precision=lax.Precision.HIGHEST)
    a_s = jnp.dot(xp, as_r[:], preferred_element_type=jnp.float32,
                  precision=lax.Precision.HIGHEST)
    a_d = jnp.dot(xp, ad_r[:], preferred_element_type=jnp.float32,
                  precision=lax.Precision.HIGHEST)
    ws = jnp.exp(_lrelu(a_s + a_d))
    w64 = jnp.dot(ws, rep_r[:], preferred_element_type=jnp.float32,
                  precision=lax.Precision.HIGHEST)
    z8 = jnp.zeros((_R, 8), jnp.float32)
    ts_r[:] = jnp.concatenate([xp, a_s, z8], axis=1)
    td_r[:] = jnp.concatenate([a_d, z8], axis=1)
    init_r[:] = 0.5 * jnp.concatenate([w64 * xp, ws, z8], axis=1)


def _prep1(x, W1, As1, Ad1, Rep8):
    return pl.pallas_call(
        _prep1_body,
        grid=(_G,),
        in_specs=[
            pl.BlockSpec((_R, _D), lambda i: (i, 0)),
            pl.BlockSpec((_D, _F1), lambda i: (0, 0)),
            pl.BlockSpec((_F1, _H1), lambda i: (0, 0)),
            pl.BlockSpec((_F1, _H1), lambda i: (0, 0)),
            pl.BlockSpec((_H1, _F1), lambda i: (0, 0)),
        ],
        out_specs=[
            pl.BlockSpec((_R, 80), lambda i: (i, 0)),
            pl.BlockSpec((_R, 16), lambda i: (i, 0)),
            pl.BlockSpec((_R, 80), lambda i: (i, 0)),
        ],
        out_shape=[
            jax.ShapeDtypeStruct((_N, 80), jnp.float32),
            jax.ShapeDtypeStruct((_N, 16), jnp.float32),
            jax.ShapeDtypeStruct((_N, 80), jnp.float32),
        ],
    )(x, W1, As1, Ad1, Rep8)


def _edge_body(src_h, dst_h, ts_h, td_h, init_h, parts_h,
               sidx, didx, S, Dv, M, acc, sg0, sg1, sd0, sd1, sc0, sc1):
    cid = lax.axis_index("c")
    sid = lax.axis_index("s")
    wid = sid * _NC + cid
    sg = [sg0, sg1]
    sd = [sd0, sd1]
    sc = [sc0, sc1]

    rows = _N // _NS
    pltpu.sync_copy(init_h.at[pl.ds(sid * rows, rows)],
                    acc.at[pl.ds(sid * rows, rows)])
    pltpu.sync_copy(src_h.at[wid], sidx)
    pltpu.sync_copy(dst_h.at[wid], didx)
    plsc.subcore_barrier()

    idxs = [2 * j + lax.shift_right_logical(lax.iota(jnp.int32, 16), 3)
            for j in range(4)]

    def start_g(k, b):
        pltpu.async_copy(ts_h.at[sidx.at[k]], S.at[b], sg[b])
        pltpu.async_copy(td_h.at[didx.at[k]], Dv.at[b], sd[b])

    def wait_g(k, b):
        pltpu.make_async_copy(ts_h.at[sidx.at[k]], S.at[b], sg[b]).wait()
        pltpu.make_async_copy(td_h.at[didx.at[k]], Dv.at[b], sd[b]).wait()

    def start_s(k, b):
        pltpu.async_copy(M.at[b], acc.at[didx.at[k]], sc[b], add=True)

    def wait_s(k, b):
        pltpu.make_async_copy(M.at[b], acc.at[didx.at[k]], sc[b]).wait()

    start_g(0, 0)

    def half(k, b):
        wait_g(k, b)

        @pl.when(k + 1 < _CH)
        def _():
            start_g(k + 1, 1 - b)

        @pl.when(k >= 2)
        def _():
            wait_s(k - 2, b)

        @functools.partial(plsc.parallel_loop, 0, _K, unroll=4)
        def _(i):
            a_s = S[b, i, pl.ds(64, 16)]
            a_d = Dv[b, i, :]
            al = a_s + a_d
            w16 = jnp.exp(jnp.maximum(al, al * 0.2))
            M[b, i, pl.ds(64, 16)] = w16
            for j in range(4):
                wj = w16.at[idxs[j]].get(mode="promise_in_bounds")
                M[b, i, pl.ds(16 * j, 16)] = wj * S[b, i, pl.ds(16 * j, 16)]

        start_s(k, b)

    def body2(kk, carry):
        k = kk * 2
        half(k, 0)

        @pl.when(k + 1 < _CH)
        def _():
            half(k + 1, 1)

        return carry

    lax.fori_loop(0, (_CH + 1) // 2, body2, 0)
    wait_s(_CH - 1, (_CH - 1) % 2)
    wait_s(_CH - 2, (_CH - 2) % 2)
    plsc.subcore_barrier()

    pltpu.sync_copy(acc.at[pl.ds(sid * rows, rows)],
                    parts_h.at[cid].at[pl.ds(sid * rows, rows)])


def _edge_pass(src, dst, tsrc, tdst, init):
    mesh = plsc.VectorSubcoreMesh(core_axis_name="c", subcore_axis_name="s",
                                  num_cores=_NC, num_subcores=_NS)
    f = pl.kernel(
        _edge_body,
        out_type=jax.ShapeDtypeStruct((_NC, _N, 80), jnp.float32),
        mesh=mesh,
        scratch_types=[
            pltpu.VMEM((_CH, _K), jnp.int32),
            pltpu.VMEM((_CH, _K), jnp.int32),
            pltpu.VMEM((2, _K, 80), jnp.float32),
            pltpu.VMEM((2, _K, 16), jnp.float32),
            pltpu.VMEM((2, _K, 80), jnp.float32),
            pltpu.VMEM_SHARED((_N, 80), jnp.float32),
            pltpu.SemaphoreType.DMA,
            pltpu.SemaphoreType.DMA,
            pltpu.SemaphoreType.DMA,
            pltpu.SemaphoreType.DMA,
            pltpu.SemaphoreType.DMA,
            pltpu.SemaphoreType.DMA,
        ],
        compiler_params=pltpu.CompilerParams(use_tc_tiling_on_sc=False),
    )
    return f(src.reshape(_NW, _CH, _K), dst.reshape(_NW, _CH, _K),
             tsrc, tdst, init)


def _mid_body(p0_r, p1_r, b1_r, w2_r, as2_r, ad2_r, rep_r,
              ts_r, td_r, init_r):
    acc = p0_r[:] + p1_r[:]
    den64 = jnp.dot(acc[:, 64:72], rep_r[:],
                    preferred_element_type=jnp.float32,
                    precision=lax.Precision.HIGHEST)
    out1 = acc[:, :64] / (den64 + 1e-16)
    h1 = out1 + b1_r[:]
    h1 = jnp.where(h1 > 0, h1, jnp.exp(jnp.minimum(h1, 0.0)) - 1.0)
    xp2 = jnp.dot(h1, w2_r[:], preferred_element_type=jnp.float32,
                  precision=lax.Precision.HIGHEST)
    a_s2 = jnp.sum(xp2 * as2_r[:], axis=1, keepdims=True)
    a_d2 = jnp.sum(xp2 * ad2_r[:], axis=1, keepdims=True)
    ws2 = jnp.exp(_lrelu(a_s2 + a_d2))
    ts_r[:] = jnp.concatenate(
        [xp2, jnp.broadcast_to(a_s2, (_R, 16))], axis=1)
    td_r[:] = jnp.broadcast_to(a_d2, (_R, 16))
    init_r[:] = 0.5 * jnp.concatenate(
        [ws2 * xp2, jnp.broadcast_to(ws2, (_R, 16))], axis=1)


def _mid(p0, p1, b1, W2, as2, ad2, Rep8):
    return pl.pallas_call(
        _mid_body,
        grid=(_G,),
        in_specs=[
            pl.BlockSpec((_R, 80), lambda i: (i, 0)),
            pl.BlockSpec((_R, 80), lambda i: (i, 0)),
            pl.BlockSpec((1, _F1), lambda i: (0, 0)),
            pl.BlockSpec((_F1, _F2), lambda i: (0, 0)),
            pl.BlockSpec((1, _F2), lambda i: (0, 0)),
            pl.BlockSpec((1, _F2), lambda i: (0, 0)),
            pl.BlockSpec((_H1, _F1), lambda i: (0, 0)),
        ],
        out_specs=[
            pl.BlockSpec((_R, 80), lambda i: (i, 0)),
            pl.BlockSpec((_R, 16), lambda i: (i, 0)),
            pl.BlockSpec((_R, 80), lambda i: (i, 0)),
        ],
        out_shape=[
            jax.ShapeDtypeStruct((_N, 80), jnp.float32),
            jax.ShapeDtypeStruct((_N, 16), jnp.float32),
            jax.ShapeDtypeStruct((_N, 80), jnp.float32),
        ],
    )(p0, p1, b1, W2, as2, ad2, Rep8)


def _final_body(q0_r, q1_r, b2_r, o_r):
    acc = q0_r[:] + q1_r[:]
    z = acc[:, :64] / (acc[:, 64:65] + 1e-16) + b2_r[:]
    z = z - jnp.max(z, axis=1, keepdims=True)
    o_r[:] = z - jnp.log(jnp.sum(jnp.exp(z), axis=1, keepdims=True))


def _final(q0, q1, b2):
    return pl.pallas_call(
        _final_body,
        grid=(_G,),
        in_specs=[
            pl.BlockSpec((_R, 80), lambda i: (i, 0)),
            pl.BlockSpec((_R, 80), lambda i: (i, 0)),
            pl.BlockSpec((1, _F2), lambda i: (0, 0)),
        ],
        out_specs=pl.BlockSpec((_R, _F2), lambda i: (i, 0)),
        out_shape=jax.ShapeDtypeStruct((_N, _F2), jnp.float32),
    )(q0, q1, b2)


@jax.jit
def kernel(x, edge_index, W1, att_src1, att_dst1, b1, W2, att_src2,
           att_dst2, b2):
    src = edge_index[0]
    dst = edge_index[1]

    cols = jnp.arange(_F1)
    heads = cols // _C1
    As1 = jnp.zeros((_F1, _H1), jnp.float32).at[cols, heads].set(
        att_src1.reshape(-1))
    Ad1 = jnp.zeros((_F1, _H1), jnp.float32).at[cols, heads].set(
        att_dst1.reshape(-1))
    Rep8 = jnp.zeros((_H1, _F1), jnp.float32).at[heads, cols].set(1.0)

    ts1, td1, init1 = _prep1(x, W1, As1, Ad1, Rep8)
    parts1 = _edge_pass(src, dst, ts1, td1, init1)
    ts2, td2, init2 = _mid(parts1[0], parts1[1], b1.reshape(1, _F1), W2,
                           att_src2.reshape(1, _F2),
                           att_dst2.reshape(1, _F2), Rep8)
    parts2 = _edge_pass(src, dst, ts2, td2, init2)
    return _final(parts2[0], parts2[1], b2.reshape(1, _F2))

# --- scband reference (transcript-rebuilt; emitter-appended) ---
"""Pipeline reference for scband-gat-net-75625784148569 (READ-ONLY COPY).

The authoritative reference and input builder live on the scoring server;
editing this copy changes nothing except your own understanding.
"""

import jax, jax.numpy as jnp
import numpy as np

N = 10000
E = 320000
D = 128
H1, C1 = 8, 8
H2, C2 = 1, 64


def setup_inputs(seed: int = 0) -> dict:
    key = jax.random.key(seed)
    ks = jax.random.split(key, 10)
    x = jax.random.normal(ks[0], (N, D), dtype=jnp.float32)
    edge_index = jax.random.randint(ks[1], (2, E), 0, N, dtype=jnp.int32)
    W1 = jax.random.normal(ks[2], (D, H1 * C1), dtype=jnp.float32) * 0.1
    att_src1 = jax.random.normal(ks[3], (1, H1, C1), dtype=jnp.float32) * 0.1
    att_dst1 = jax.random.normal(ks[4], (1, H1, C1), dtype=jnp.float32) * 0.1
    b1 = jnp.zeros((H1 * C1,), dtype=jnp.float32)
    W2 = jax.random.normal(ks[5], (H1 * C1, H2 * C2), dtype=jnp.float32) * 0.1
    att_src2 = jax.random.normal(ks[6], (1, H2, C2), dtype=jnp.float32) * 0.1
    att_dst2 = jax.random.normal(ks[7], (1, H2, C2), dtype=jnp.float32) * 0.1
    b2 = jnp.zeros((C2,), dtype=jnp.float32)
    return {"x": x, "edge_index": edge_index, "W1": W1, "att_src1": att_src1,
            "att_dst1": att_dst1, "b1": b1, "W2": W2, "att_src2": att_src2,
            "att_dst2": att_dst2, "b2": b2}


def gat_conv(x, edge_index, W, att_src, att_dst, bias, heads, out_ch, concat):
    n = x.shape[0]
    src = edge_index[0]
    dst = edge_index[1]
    # PyG GATConv default add_self_loops=True
    loop = jnp.arange(n, dtype=src.dtype)
    src = jnp.concatenate([src, loop])
    dst = jnp.concatenate([dst, loop])
    xp = (x @ W).reshape(n, heads, out_ch)
    a_src = jnp.sum(xp * att_src, axis=-1)  # [n, H]
    a_dst = jnp.sum(xp * att_dst, axis=-1)  # [n, H]
    alpha = a_src[src] + a_dst[dst]         # [Etot, H]
    alpha = jax.nn.leaky_relu(alpha, negative_slope=0.2)
    m = jax.ops.segment_max(alpha, dst, num_segments=n)
    m = jnp.where(jnp.isfinite(m), m, 0.0)
    e = jnp.exp(alpha - m[dst])
    denom = jax.ops.segment_sum(e, dst, num_segments=n)
    coef = e / (denom[dst] + 1e-16)
    msg = xp[src] * coef[:, :, None]
    out = jax.ops.segment_sum(msg, dst, num_segments=n)  # [n, H, C]
    if concat:
        out = out.reshape(n, heads * out_ch)
    else:
        out = out.mean(axis=1)
    return out + bias


def reference(x, edge_index, W1, att_src1, att_dst1, b1, W2, att_src2, att_dst2, b2):
    # eval mode: F.dropout and attention dropout are identity
    h = jax.nn.elu(gat_conv(x, edge_index, W1, att_src1, att_dst1, b1, H1, C1, True))
    h = gat_conv(h, edge_index, W2, att_src2, att_dst2, b2, H2, C2, False)
    return jax.nn.log_softmax(h, axis=1)

if __name__ == "__main__":
    import jax
    _d = setup_inputs()
    print(jax.jit(kernel)(*tuple(_d.values())))

</pallas_src>

<mosaic_0001>
#map = affine_map<(d0, d1) -> (0, 0, 0)>
#map1 = affine_map<(d0, d1) -> (0, 0)>
module attributes {stable_mosaic.version = 14 : i64} {
  func.func @_edge_body(%arg0: i32, %arg1: i32, %arg2: memref<32x125x80xi32, #tpu.memory_space<hbm>>, %arg3: memref<32x125x80xi32, #tpu.memory_space<hbm>>, %arg4: memref<10000x80xf32, #tpu.memory_space<hbm>>, %arg5: memref<10000x16xf32, #tpu.memory_space<hbm>>, %arg6: memref<10000x80xf32, #tpu.memory_space<hbm>>, %arg7: memref<2x10000x80xf32, #tpu.memory_space<hbm>>, %arg8: memref<125x80xi32, #tpu.memory_space<vmem>>, %arg9: memref<125x80xi32, #tpu.memory_space<vmem>>, %arg10: memref<2x80x80xf32, #tpu.memory_space<vmem>>, %arg11: memref<2x80x16xf32, #tpu.memory_space<vmem>>, %arg12: memref<2x80x80xf32, #tpu.memory_space<vmem>>, %arg13: memref<10000x80xf32, #tpu.memory_space<vmem_shared>>, %arg14: memref<!tpu.dma_semaphore, #tpu.memory_space<semaphore_mem>>, %arg15: memref<!tpu.dma_semaphore, #tpu.memory_space<semaphore_mem>>, %arg16: memref<!tpu.dma_semaphore, #tpu.memory_space<semaphore_mem>>, %arg17: memref<!tpu.dma_semaphore, #tpu.memory_space<semaphore_mem>>, %arg18: memref<!tpu.dma_semaphore, #tpu.memory_space<semaphore_mem>>, %arg19: memref<!tpu.dma_semaphore, #tpu.memory_space<semaphore_mem>>) attributes {dimension_semantics = [#tpu.dimension_semantics<core_parallel>, #tpu.dimension_semantics<subcore_parallel>], iteration_bounds = array<i64: 2, 16>, scalar_prefetch = 0 : i64, scratch_operands = 12 : i64, tpu.core_type = #tpu.core_type<sc_vector_subcore>, window_params = [{transform_indices = #map}, {transform_indices = #map}, {transform_indices = #map1}, {transform_indices = #map1}, {transform_indices = #map1}, {transform_indices = #map}]} {
    %mul3A = arith.constant 2 : i32
    %mul3A_0 = arith.muli %arg1, %mul3A : i32
    %add3A = arith.addi %mul3A_0, %arg0 : i32
    %mul3A_1 = arith.constant 625 : i32
    %mul3A_2 = arith.muli %arg1, %mul3A_1 : i32
    %mul3A_3 = arith.constant 625 : i32
    %mul3A_4 = arith.muli %arg1, %mul3A_3 : i32
    "tpu.region"() ({
      %run_scoped3A = tpu.sem_alloc : memref<!tpu.dma_semaphore, #tpu.memory_space<semaphore_mem>>
      %dma_start3A_87 = arith.constant 0 : i32
      %dma_start3A_88 = tpu.memref_slice %arg13[%mul3A_4, %dma_start3A_87] : memref<10000x80xf32, #tpu.memory_space<vmem_shared>> -> memref<625x80xf32, #tpu.memory_space<vmem_shared>>
      %dma_start3A_89 = arith.constant 0 : i32
      %dma_start3A_90 = tpu.memref_slice %arg6[%mul3A_2, %dma_start3A_89] : memref<10000x80xf32, #tpu.memory_space<hbm>> -> memref<625x80xf32, #tpu.memory_space<hbm>>
      tpu.enqueue_dma source(%dma_start3A_90 : memref<625x80xf32, #tpu.memory_space<hbm>>) target(%dma_start3A_88 : memref<625x80xf32, #tpu.memory_space<vmem_shared>>) target_semaphore(%run_scoped3A : memref<!tpu.dma_semaphore, #tpu.memory_space<semaphore_mem>>)
      %dma_wait3A_91 = arith.constant 0 : i32
      %dma_wait3A_92 = tpu.memref_slice %arg13[%mul3A_4, %dma_wait3A_91] : memref<10000x80xf32, #tpu.memory_space<vmem_shared>> -> memref<625x80xf32, #tpu.memory_space<vmem_shared>>
      %dma_wait3A_93 = arith.constant 0 : i32
      %dma_wait3A_94 = tpu.memref_slice %arg6[%mul3A_2, %dma_wait3A_93] : memref<10000x80xf32, #tpu.memory_space<hbm>> -> memref<625x80xf32, #tpu.memory_space<hbm>>
      tpu.wait_dma2 semaphore(%run_scoped3A : memref<!tpu.dma_semaphore, #tpu.memory_space<semaphore_mem>>) src(%dma_wait3A_94 : memref<625x80xf32, #tpu.memory_space<hbm>>) dst(%dma_wait3A_92 : memref<625x80xf32, #tpu.memory_space<vmem_shared>>)
      tpu.yield
    }) : () -> ()
    "tpu.region"() ({
      %run_scoped3A = tpu.sem_alloc : memref<!tpu.dma_semaphore, #tpu.memory_space<semaphore_mem>>
      %dma_start3A_87 = arith.constant 0 : i32
      %dma_start3A_88 = arith.constant 0 : i32
      %dma_start3A_89 = tpu.memref_slice %arg2[%add3A, %dma_start3A_87, %dma_start3A_88] : memref<32x125x80xi32, #tpu.memory_space<hbm>> -> memref<1x125x80xi32, #tpu.memory_space<hbm>>
      %dma_start3A_90 = tpu.memref_squeeze %dma_start3A_89 : memref<1x125x80xi32, #tpu.memory_space<hbm>> -> memref<125x80xi32, #tpu.memory_space<hbm>>
      %dma_start3A_91 = arith.constant 0 : i32
      %dma_start3A_92 = arith.constant 0 : i32
      %dma_start3A_93 = tpu.memref_slice %arg2[%add3A, %dma_start3A_91, %dma_start3A_92] : memref<32x125x80xi32, #tpu.memory_space<hbm>> -> memref<1x125x80xi32, #tpu.memory_space<hbm>>
      %dma_start3A_94 = tpu.memref_squeeze %dma_start3A_93 : memref<1x125x80xi32, #tpu.memory_space<hbm>> -> memref<125x80xi32, #tpu.memory_space<hbm>>
      tpu.enqueue_dma source(%dma_start3A_94 : memref<125x80xi32, #tpu.memory_space<hbm>>) target(%arg8 : memref<125x80xi32, #tpu.memory_space<vmem>>) target_semaphore(%run_scoped3A : memref<!tpu.dma_semaphore, #tpu.memory_space<semaphore_mem>>)
      %dma_wait3A_95 = arith.constant 0 : i32
      %dma_wait3A_96 = arith.constant 0 : i32
      %dma_wait3A_97 = tpu.memref_slice %arg2[%add3A, %dma_wait3A_95, %dma_wait3A_96] : memref<32x125x80xi32, #tpu.memory_space<hbm>> -> memref<1x125x80xi32, #tpu.memory_space<hbm>>
      %dma_wait3A_98 = tpu.memref_squeeze %dma_wait3A_97 : memref<1x125x80xi32, #tpu.memory_space<hbm>> -> memref<125x80xi32, #tpu.memory_space<hbm>>
      %dma_wait3A_99 = arith.constant 0 : i32
      %dma_wait3A_100 = arith.constant 0 : i32
      %dma_wait3A_101 = tpu.memref_slice %arg2[%add3A, %dma_wait3A_99, %dma_wait3A_100] : memref<32x125x80xi32, #tpu.memory_space<hbm>> -> memref<1x125x80xi32, #tpu.memory_space<hbm>>
      %dma_wait3A_102 = tpu.memref_squeeze %dma_wait3A_101 : memref<1x125x80xi32, #tpu.memory_space<hbm>> -> memref<125x80xi32, #tpu.memory_space<hbm>>
      tpu.wait_dma2 semaphore(%run_scoped3A : memref<!tpu.dma_semaphore, #tpu.memory_space<semaphore_mem>>) src(%dma_wait3A_102 : memref<125x80xi32, #tpu.memory_space<hbm>>) dst(%arg8 : memref<125x80xi32, #tpu.memory_space<vmem>>)
      tpu.yield
    }) : () -> ()
    "tpu.region"() ({
      %run_scoped3A = tpu.sem_alloc : memref<!tpu.dma_semaphore, #tpu.memory_space<semaphore_mem>>
      %dma_start3A_87 = arith.constant 0 : i32
      %dma_start3A_88 = arith.constant 0 : i32
      %dma_start3A_89 = tpu.memref_slice %arg3[%add3A, %dma_start3A_87, %dma_start3A_88] : memref<32x125x80xi32, #tpu.memory_space<hbm>> -> memref<1x125x80xi32, #tpu.memory_space<hbm>>
      %dma_start3A_90 = tpu.memref_squeeze %dma_start3A_89 : memref<1x125x80xi32, #tpu.memory_space<hbm>> -> memref<125x80xi32, #tpu.memory_space<hbm>>
      %dma_start3A_91 = arith.constant 0 : i32
      %dma_start3A_92 = arith.constant 0 : i32
      %dma_start3A_93 = tpu.memref_slice %arg3[%add3A, %dma_start3A_91, %dma_start3A_92] : memref<32x125x80xi32, #tpu.memory_space<hbm>> -> memref<1x125x80xi32, #tpu.memory_space<hbm>>
      %dma_start3A_94 = tpu.memref_squeeze %dma_start3A_93 : memref<1x125x80xi32, #tpu.memory_space<hbm>> -> memref<125x80xi32, #tpu.memory_space<hbm>>
      tpu.enqueue_dma source(%dma_start3A_94 : memref<125x80xi32, #tpu.memory_space<hbm>>) target(%arg9 : memref<125x80xi32, #tpu.memory_space<vmem>>) target_semaphore(%run_scoped3A : memref<!tpu.dma_semaphore, #tpu.memory_space<semaphore_mem>>)
      %dma_wait3A_95 = arith.constant 0 : i32
      %dma_wait3A_96 = arith.constant 0 : i32
      %dma_wait3A_97 = tpu.memref_slice %arg3[%add3A, %dma_wait3A_95, %dma_wait3A_96] : memref<32x125x80xi32, #tpu.memory_space<hbm>> -> memref<1x125x80xi32, #tpu.memory_space<hbm>>
      %dma_wait3A_98 = tpu.memref_squeeze %dma_wait3A_97 : memref<1x125x80xi32, #tpu.memory_space<hbm>> -> memref<125x80xi32, #tpu.memory_space<hbm>>
      %dma_wait3A_99 = arith.constant 0 : i32
      %dma_wait3A_100 = arith.constant 0 : i32
      %dma_wait3A_101 = tpu.memref_slice %arg3[%add3A, %dma_wait3A_99, %dma_wait3A_100] : memref<32x125x80xi32, #tpu.memory_space<hbm>> -> memref<1x125x80xi32, #tpu.memory_space<hbm>>
      %dma_wait3A_102 = tpu.memref_squeeze %dma_wait3A_101 : memref<1x125x80xi32, #tpu.memory_space<hbm>> -> memref<125x80xi32, #tpu.memory_space<hbm>>
      tpu.wait_dma2 semaphore(%run_scoped3A : memref<!tpu.dma_semaphore, #tpu.memory_space<semaphore_mem>>) src(%dma_wait3A_102 : memref<125x80xi32, #tpu.memory_space<hbm>>) dst(%arg9 : memref<125x80xi32, #tpu.memory_space<vmem>>)
      tpu.yield
    }) : () -> ()
    %barrier3A = arith.constant 0 : index
    tpu.barrier barrier_id(%barrier3A)
    %iota3A = tpu.iota {dimensions = array<i32: 0>} : vector<16xi32>
    %shift_right_logical3A = arith.constant 3 : i32
    %shift_right_logical3A_5 = vector.broadcast %shift_right_logical3A : i32 to vector<16xi32>
    %shift_right_logical3A_6 = arith.shrui %iota3A, %shift_right_logical3A_5 : vector<16xi32>
    %add3A_7 = arith.constant 0 : i32
    %add3A_8 = vector.broadcast %add3A_7 : i32 to vector<16xi32>
    %add3A_9 = arith.addi %add3A_8, %shift_right_logical3A_6 : vector<16xi32>
    %iota3A_10 = tpu.iota {dimensions = array<i32: 0>} : vector<16xi32>
    %shift_right_logical3A_11 = arith.constant 3 : i32
    %shift_right_logical3A_12 = vector.broadcast %shift_right_logical3A_11 : i32 to vector<16xi32>
    %shift_right_logical3A_13 = arith.shrui %iota3A_10, %shift_right_logical3A_12 : vector<16xi32>
    %add3A_14 = arith.constant 2 : i32
    %add3A_15 = vector.broadcast %add3A_14 : i32 to vector<16xi32>
    %add3A_16 = arith.addi %add3A_15, %shift_right_logical3A_13 : vector<16xi32>
    %iota3A_17 = tpu.iota {dimensions = array<i32: 0>} : vector<16xi32>
    %shift_right_logical3A_18 = arith.constant 3 : i32
    %shift_right_logical3A_19 = vector.broadcast %shift_right_logical3A_18 : i32 to vector<16xi32>
    %shift_right_logical3A_20 = arith.shrui %iota3A_17, %shift_right_logical3A_19 : vector<16xi32>
    %add3A_21 = arith.constant 4 : i32
    %add3A_22 = vector.broadcast %add3A_21 : i32 to vector<16xi32>
    %add3A_23 = arith.addi %add3A_22, %shift_right_logical3A_20 : vector<16xi32>
    %iota3A_24 = tpu.iota {dimensions = array<i32: 0>} : vector<16xi32>
    %shift_right_logical3A_25 = arith.constant 3 : i32
    %shift_right_logical3A_26 = vector.broadcast %shift_right_logical3A_25 : i32 to vector<16xi32>
    %shift_right_logical3A_27 = arith.shrui %iota3A_24, %shift_right_logical3A_26 : vector<16xi32>
    %add3A_28 = arith.constant 6 : i32
    %add3A_29 = vector.broadcast %add3A_28 : i32 to vector<16xi32>
    %add3A_30 = arith.addi %add3A_29, %shift_right_logical3A_27 : vector<16xi32>
    %dma_start3A = arith.constant 0 : i32
    %dma_start3A_31 = arith.constant 0 : i32
    %dma_start3A_32 = arith.constant 0 : i32
    %dma_start3A_33 = arith.constant 0 : i32
    %dma_start3A_34 = tpu.memref_slice %arg10[%dma_start3A_31, %dma_start3A_32, %dma_start3A_33] : memref<2x80x80xf32, #tpu.memory_space<vmem>> -> memref<1x80x80xf32, #tpu.memory_space<vmem>>
    %dma_start3A_35 = tpu.memref_squeeze %dma_start3A_34 : memref<1x80x80xf32, #tpu.memory_space<vmem>> -> memref<80x80xf32, #tpu.memory_space<vmem>>
    %dma_start3A_36 = arith.constant 0 : i32
    %dma_start3A_37 = tpu.memref_slice %arg8[%dma_start3A, %dma_start3A_36] : memref<125x80xi32, #tpu.memory_space<vmem>> -> memref<1x80xi32, #tpu.memory_space<vmem>>
    %dma_start3A_38 = tpu.memref_squeeze %dma_start3A_37 : memref<1x80xi32, #tpu.memory_space<vmem>> -> memref<80xi32, #tpu.memory_space<vmem>>
    %dma_start3A_39 = arith.constant 0 : i32
    %dma_start3A_40 = arith.constant 0 : i32
    %dma_start3A_41 = tpu.memref_slice %arg4[%dma_start3A_39, %dma_start3A_40] : memref<10000x80xf32, #tpu.memory_space<hbm>> -> memref<10000x80xf32, #tpu.memory_space<hbm>>
    tpu.enqueue_indirect_dma source(%dma_start3A_41 : memref<10000x80xf32, #tpu.memory_space<hbm>>) target(%dma_start3A_35 : memref<80x80xf32, #tpu.memory_space<vmem>>) offsets(%dma_start3A_38 : memref<80xi32, #tpu.memory_space<vmem>>) semaphore(%arg14 : memref<!tpu.dma_semaphore, #tpu.memory_space<semaphore_mem>>)
    %dma_start3A_42 = arith.constant 0 : i32
    %dma_start3A_43 = arith.constant 0 : i32
    %dma_start3A_44 = arith.constant 0 : i32
    %dma_start3A_45 = arith.constant 0 : i32
    %dma_start3A_46 = tpu.memref_slice %arg11[%dma_start3A_43, %dma_start3A_44, %dma_start3A_45] : memref<2x80x16xf32, #tpu.memory_space<vmem>> -> memref<1x80x16xf32, #tpu.memory_space<vmem>>
    %dma_start3A_47 = tpu.memref_squeeze %dma_start3A_46 : memref<1x80x16xf32, #tpu.memory_space<vmem>> -> memref<80x16xf32, #tpu.memory_space<vmem>>
    %dma_start3A_48 = arith.constant 0 : i32
    %dma_start3A_49 = tpu.memref_slice %arg9[%dma_start3A_42, %dma_start3A_48] : memref<125x80xi32, #tpu.memory_space<vmem>> -> memref<1x80xi32, #tpu.memory_space<vmem>>
    %dma_start3A_50 = tpu.memref_squeeze %dma_start3A_49 : memref<1x80xi32, #tpu.memory_space<vmem>> -> memref<80xi32, #tpu.memory_space<vmem>>
    %dma_start3A_51 = arith.constant 0 : i32
    %dma_start3A_52 = arith.constant 0 : i32
    %dma_start3A_53 = tpu.memref_slice %arg5[%dma_start3A_51, %dma_start3A_52] : memref<10000x16xf32, #tpu.memory_space<hbm>> -> memref<10000x16xf32, #tpu.memory_space<hbm>>
    tpu.enqueue_indirect_dma source(%dma_start3A_53 : memref<10000x16xf32, #tpu.memory_space<hbm>>) target(%dma_start3A_47 : memref<80x16xf32, #tpu.memory_space<vmem>>) offsets(%dma_start3A_50 : memref<80xi32, #tpu.memory_space<vmem>>) semaphore(%arg16 : memref<!tpu.dma_semaphore, #tpu.memory_space<semaphore_mem>>)
    %scan3A = arith.constant 0 : i32
    %scan3A_54 = arith.constant 0 : i32
    %scan3A_55 = arith.constant 63 : i32
    %scan3A_56 = arith.addi %scan3A_54, %scan3A_55 : i32
    %scan3A_57 = arith.constant 1 : i32
    scf.for %scan3A_87 = %scan3A_54 to %scan3A_56 step %scan3A_57  : i32 {
      %mul3A_88 = arith.constant 2 : i32
      %mul3A_89 = arith.muli %scan3A_87, %mul3A_88 : i32
      %dma_wait3A_90 = arith.constant 0 : i32
      %dma_wait3A_91 = arith.constant 0 : i32
      %dma_wait3A_92 = arith.constant 0 : i32
      %dma_wait3A_93 = tpu.memref_slice %arg10[%dma_wait3A_90, %dma_wait3A_91, %dma_wait3A_92] : memref<2x80x80xf32, #tpu.memory_space<vmem>> -> memref<1x80x80xf32, #tpu.memory_space<vmem>>
      %dma_wait3A_94 = tpu.memref_squeeze %dma_wait3A_93 : memref<1x80x80xf32, #tpu.memory_space<vmem>> -> memref<80x80xf32, #tpu.memory_space<vmem>>
      %dma_wait3A_95 = arith.constant 0 : i32
      %dma_wait3A_96 = tpu.memref_slice %arg8[%mul3A_89, %dma_wait3A_95] : memref<125x80xi32, #tpu.memory_space<vmem>> -> memref<1x80xi32, #tpu.memory_space<vmem>>
      %dma_wait3A_97 = tpu.memref_squeeze %dma_wait3A_96 : memref<1x80xi32, #tpu.memory_space<vmem>> -> memref<80xi32, #tpu.memory_space<vmem>>
      %dma_wait3A_98 = arith.constant 0 : i32
      %dma_wait3A_99 = arith.constant 0 : i32
      %dma_wait3A_100 = tpu.memref_slice %arg4[%dma_wait3A_98, %dma_wait3A_99] : memref<10000x80xf32, #tpu.memory_space<hbm>> -> memref<10000x80xf32, #tpu.memory_space<hbm>>
      tpu.wait_indirect_dma semaphore(%arg14 : memref<!tpu.dma_semaphore, #tpu.memory_space<semaphore_mem>>) src(%dma_wait3A_100 : memref<10000x80xf32, #tpu.memory_space<hbm>>) dst(%dma_wait3A_94 : memref<80x80xf32, #tpu.memory_space<vmem>>)
      %dma_wait3A_101 = arith.constant 0 : i32
      %dma_wait3A_102 = arith.constant 0 : i32
      %dma_wait3A_103 = arith.constant 0 : i32
      %dma_wait3A_104 = tpu.memref_slice %arg11[%dma_wait3A_101, %dma_wait3A_102, %dma_wait3A_103] : memref<2x80x16xf32, #tpu.memory_space<vmem>> -> memref<1x80x16xf32, #tpu.memory_space<vmem>>
      %dma_wait3A_105 = tpu.memref_squeeze %dma_wait3A_104 : memref<1x80x16xf32, #tpu.memory_space<vmem>> -> memref<80x16xf32, #tpu.memory_space<vmem>>
      %dma_wait3A_106 = arith.constant 0 : i32
      %dma_wait3A_107 = tpu.memref_slice %arg9[%mul3A_89, %dma_wait3A_106] : memref<125x80xi32, #tpu.memory_space<vmem>> -> memref<1x80xi32, #tpu.memory_space<vmem>>
      %dma_wait3A_108 = tpu.memref_squeeze %dma_wait3A_107 : memref<1x80xi32, #tpu.memory_space<vmem>> -> memref<80xi32, #tpu.memory_space<vmem>>
      %dma_wait3A_109 = arith.constant 0 : i32
      %dma_wait3A_110 = arith.constant 0 : i32
      %dma_wait3A_111 = tpu.memref_slice %arg5[%dma_wait3A_109, %dma_wait3A_110] : memref<10000x16xf32, #tpu.memory_space<hbm>> -> memref<10000x16xf32, #tpu.memory_space<hbm>>
      tpu.wait_indirect_dma semaphore(%arg16 : memref<!tpu.dma_semaphore, #tpu.memory_space<semaphore_mem>>) src(%dma_wait3A_111 : memref<10000x16xf32, #tpu.memory_space<hbm>>) dst(%dma_wait3A_105 : memref<80x16xf32, #tpu.memory_space<vmem>>)
      %add3A_112 = arith.constant 1 : i32
      %add3A_113 = arith.addi %mul3A_89, %add3A_112 : i32
      %lt3A = arith.constant 125 : i32
      %lt3A_114 = arith.cmpi slt, %add3A_113, %lt3A : i32
      %convert_element_type3A = arith.extui %lt3A_114 : i1 to i32
      %cond3A = arith.constant 0 : i32
      %cond3A_115 = arith.cmpi ne, %convert_element_type3A, %cond3A : i32
      scf.if %cond3A_115 {
        %add3A_138 = arith.constant 1 : i32
        %add3A_139 = arith.addi %mul3A_89, %add3A_138 : i32
        %dma_start3A_140 = arith.constant 1 : i32
        %dma_start3A_141 = arith.constant 0 : i32
        %dma_start3A_142 = arith.constant 0 : i32
        %dma_start3A_143 = tpu.memref_slice %arg10[%dma_start3A_140, %dma_start3A_141, %dma_start3A_142] : memref<2x80x80xf32, #tpu.memory_space<vmem>> -> memref<1x80x80xf32, #tpu.memory_space<vmem>>
        %dma_start3A_144 = tpu.memref_squeeze %dma_start3A_143 : memref<1x80x80xf32, #tpu.memory_space<vmem>> -> memref<80x80xf32, #tpu.memory_space<vmem>>
        %dma_start3A_145 = arith.constant 0 : i32
        %dma_start3A_146 = tpu.memref_slice %arg8[%add3A_139, %dma_start3A_145] : memref<125x80xi32, #tpu.memory_space<vmem>> -> memref<1x80xi32, #tpu.memory_space<vmem>>
        %dma_start3A_147 = tpu.memref_squeeze %dma_start3A_146 : memref<1x80xi32, #tpu.memory_space<vmem>> -> memref<80xi32, #tpu.memory_space<vmem>>
        %dma_start3A_148 = arith.constant 0 : i32
        %dma_start3A_149 = arith.constant 0 : i32
        %dma_start3A_150 = tpu.memref_slice %arg4[%dma_start3A_148, %dma_start3A_149] : memref<10000x80xf32, #tpu.memory_space<hbm>> -> memref<10000x80xf32, #tpu.memory_space<hbm>>
        tpu.enqueue_indirect_dma source(%dma_start3A_150 : memref<10000x80xf32, #tpu.memory_space<hbm>>) target(%dma_start3A_144 : memref<80x80xf32, #tpu.memory_space<vmem>>) offsets(%dma_start3A_147 : memref<80xi32, #tpu.memory_space<vmem>>) semaphore(%arg15 : memref<!tpu.dma_semaphore, #tpu.memory_space<semaphore_mem>>)
        %dma_start3A_151 = arith.constant 1 : i32
        %dma_start3A_152 = arith.constant 0 : i32
        %dma_start3A_153 = arith.constant 0 : i32
        %dma_start3A_154 = tpu.memref_slice %arg11[%dma_start3A_151, %dma_start3A_152, %dma_start3A_153] : memref<2x80x16xf32, #tpu.memory_space<vmem>> -> memref<1x80x16xf32, #tpu.memory_space<vmem>>
        %dma_start3A_155 = tpu.memref_squeeze %dma_start3A_154 : memref<1x80x16xf32, #tpu.memory_space<vmem>> -> memref<80x16xf32, #tpu.memory_space<vmem>>
        %dma_start3A_156 = arith.constant 0 : i32
        %dma_start3A_157 = tpu.memref_slice %arg9[%add3A_139, %dma_start3A_156] : memref<125x80xi32, #tpu.memory_space<vmem>> -> memref<1x80xi32, #tpu.memory_space<vmem>>
        %dma_start3A_158 = tpu.memref_squeeze %dma_start3A_157 : memref<1x80xi32, #tpu.memory_space<vmem>> -> memref<80xi32, #tpu.memory_space<vmem>>
        %dma_start3A_159 = arith.constant 0 : i32
        %dma_start3A_160 = arith.constant 0 : i32
        %dma_start3A_161 = tpu.memref_slice %arg5[%dma_start3A_159, %dma_start3A_160] : memref<10000x16xf32, #tpu.memory_space<hbm>> -> memref<10000x16xf32, #tpu.memory_space<hbm>>
        tpu.enqueue_indirect_dma source(%dma_start3A_161 : memref<10000x16xf32, #tpu.memory_space<hbm>>) target(%dma_start3A_155 : memref<80x16xf32, #tpu.memory_space<vmem>>) offsets(%dma_start3A_158 : memref<80xi32, #tpu.memory_space<vmem>>) semaphore(%arg17 : memref<!tpu.dma_semaphore, #tpu.memory_space<semaphore_mem>>)
      } else {
      }
      %ge3A = arith.constant 2 : i32
      %ge3A_116 = arith.cmpi sge, %mul3A_89, %ge3A : i32
      %convert_element_type3A_117 = arith.extui %ge3A_116 : i1 to i32
      %cond3A_118 = arith.constant 0 : i32
      %cond3A_119 = arith.cmpi ne, %convert_element_type3A_117, %cond3A_118 : i32
      scf.if %cond3A_119 {
        %sub3A = arith.constant 2 : i32
        %sub3A_138 = arith.subi %mul3A_89, %sub3A : i32
        %dma_wait3A_139 = arith.constant 0 : i32
        %dma_wait3A_140 = arith.constant 0 : i32
        %dma_wait3A_141 = arith.constant 0 : i32
        %dma_wait3A_142 = tpu.memref_slice %arg12[%dma_wait3A_139, %dma_wait3A_140, %dma_wait3A_141] : memref<2x80x80xf32, #tpu.memory_space<vmem>> -> memref<1x80x80xf32, #tpu.memory_space<vmem>>
        %dma_wait3A_143 = tpu.memref_squeeze %dma_wait3A_142 : memref<1x80x80xf32, #tpu.memory_space<vmem>> -> memref<80x80xf32, #tpu.memory_space<vmem>>
        %dma_wait3A_144 = arith.constant 0 : i32
        %dma_wait3A_145 = tpu.memref_slice %arg9[%sub3A_138, %dma_wait3A_144] : memref<125x80xi32, #tpu.memory_space<vmem>> -> memref<1x80xi32, #tpu.memory_space<vmem>>
        %dma_wait3A_146 = tpu.memref_squeeze %dma_wait3A_145 : memref<1x80xi32, #tpu.memory_space<vmem>> -> memref<80xi32, #tpu.memory_space<vmem>>
        %dma_wait3A_147 = arith.constant 0 : i32
        %dma_wait3A_148 = arith.constant 0 : i32
        %dma_wait3A_149 = tpu.memref_slice %arg13[%dma_wait3A_147, %dma_wait3A_148] : memref<10000x80xf32, #tpu.memory_space<vmem_shared>> -> memref<10000x80xf32, #tpu.memory_space<vmem_shared>>
        tpu.wait_indirect_dma semaphore(%arg18 : memref<!tpu.dma_semaphore, #tpu.memory_space<semaphore_mem>>) src(%dma_wait3A_143 : memref<80x80xf32, #tpu.memory_space<vmem>>) dst(%dma_wait3A_149 : memref<10000x80xf32, #tpu.memory_space<vmem_shared>>)
      } else {
      }
      %dma_start3A_120 = arith.constant 0 : i32
      %dma_start3A_121 = arith.constant 0 : i32
      %dma_start3A_122 = arith.constant 0 : i32
      %dma_start3A_123 = tpu.memref_slice %arg12[%dma_start3A_120, %dma_start3A_121, %dma_start3A_122] : memref<2x80x80xf32, #tpu.memory_space<vmem>> -> memref<1x80x80xf32, #tpu.memory_space<vmem>>
      %dma_start3A_124 = tpu.memref_squeeze %dma_start3A_123 : memref<1x80x80xf32, #tpu.memory_space<vmem>> -> memref<80x80xf32, #tpu.memory_space<vmem>>
      %dma_start3A_125 = arith.constant 0 : i32
      %dma_start3A_126 = tpu.memref_slice %arg9[%mul3A_89, %dma_start3A_125] : memref<125x80xi32, #tpu.memory_space<vmem>> -> memref<1x80xi32, #tpu.memory_space<vmem>>
      %dma_start3A_127 = tpu.memref_squeeze %dma_start3A_126 : memref<1x80xi32, #tpu.memory_space<vmem>> -> memref<80xi32, #tpu.memory_space<vmem>>
      %dma_start3A_128 = arith.constant 0 : i32
      %dma_start3A_129 = arith.constant 0 : i32
      %dma_start3A_130 = tpu.memref_slice %arg13[%dma_start3A_128, %dma_start3A_129] : memref<10000x80xf32, #tpu.memory_space<vmem_shared>> -> memref<10000x80xf32, #tpu.memory_space<vmem_shared>>
      tpu.enqueue_indirect_dma source(%dma_start3A_124 : memref<80x80xf32, #tpu.memory_space<vmem>>) target(%dma_start3A_130 : memref<10000x80xf32, #tpu.memory_space<vmem_shared>>) offsets(%dma_start3A_127 : memref<80xi32, #tpu.memory_space<vmem>>) semaphore(%arg18 : memref<!tpu.dma_semaphore, #tpu.memory_space<semaphore_mem>>) {add = true}
      %add3A_131 = arith.constant 1 : i32
      %add3A_132 = arith.addi %mul3A_89, %add3A_131 : i32
      %lt3A_133 = arith.constant 125 : i32
      %lt3A_134 = arith.cmpi slt, %add3A_132, %lt3A_133 : i32
      %convert_element_type3A_135 = arith.extui %lt3A_134 : i1 to i32
      %cond3A_136 = arith.constant 0 : i32
      %cond3A_137 = arith.cmpi ne, %convert_element_type3A_135, %cond3A_136 : i32
      scf.if %cond3A_137 {
        %add3A_138 = arith.constant 1 : i32
        %add3A_139 = arith.addi %mul3A_89, %add3A_138 : i32
        %dma_wait3A_140 = arith.constant 1 : i32
        %dma_wait3A_141 = arith.constant 0 : i32
        %dma_wait3A_142 = arith.constant 0 : i32
        %dma_wait3A_143 = tpu.memref_slice %arg10[%dma_wait3A_140, %dma_wait3A_141, %dma_wait3A_142] : memref<2x80x80xf32, #tpu.memory_space<vmem>> -> memref<1x80x80xf32, #tpu.memory_space<vmem>>
        %dma_wait3A_144 = tpu.memref_squeeze %dma_wait3A_143 : memref<1x80x80xf32, #tpu.memory_space<vmem>> -> memref<80x80xf32, #tpu.memory_space<vmem>>
        %dma_wait3A_145 = arith.constant 0 : i32
        %dma_wait3A_146 = tpu.memref_slice %arg8[%add3A_139, %dma_wait3A_145] : memref<125x80xi32, #tpu.memory_space<vmem>> -> memref<1x80xi32, #tpu.memory_space<vmem>>
        %dma_wait3A_147 = tpu.memref_squeeze %dma_wait3A_146 : memref<1x80xi32, #tpu.memory_space<vmem>> -> memref<80xi32, #tpu.memory_space<vmem>>
        %dma_wait3A_148 = arith.constant 0 : i32
        %dma_wait3A_149 = arith.constant 0 : i32
        %dma_wait3A_150 = tpu.memref_slice %arg4[%dma_wait3A_148, %dma_wait3A_149] : memref<10000x80xf32, #tpu.memory_space<hbm>> -> memref<10000x80xf32, #tpu.memory_space<hbm>>
        tpu.wait_indirect_dma semaphore(%arg15 : memref<!tpu.dma_semaphore, #tpu.memory_space<semaphore_mem>>) src(%dma_wait3A_150 : memref<10000x80xf32, #tpu.memory_space<hbm>>) dst(%dma_wait3A_144 : memref<80x80xf32, #tpu.memory_space<vmem>>)
        %dma_wait3A_151 = arith.constant 1 : i32
        %dma_wait3A_152 = arith.constant 0 : i32
        %dma_wait3A_153 = arith.constant 0 : i32
        %dma_wait3A_154 = tpu.memref_slice %arg11[%dma_wait3A_151, %dma_wait3A_152, %dma_wait3A_153] : memref<2x80x16xf32, #tpu.memory_space<vmem>> -> memref<1x80x16xf32, #tpu.memory_space<vmem>>
        %dma_wait3A_155 = tpu.memref_squeeze %dma_wait3A_154 : memref<1x80x16xf32, #tpu.memory_space<vmem>> -> memref<80x16xf32, #tpu.memory_space<vmem>>
        %dma_wait3A_156 = arith.constant 0 : i32
        %dma_wait3A_157 = tpu.memref_slice %arg9[%add3A_139, %dma_wait3A_156] : memref<125x80xi32, #tpu.memory_space<vmem>> -> memref<1x80xi32, #tpu.memory_space<vmem>>
        %dma_wait3A_158 = tpu.memref_squeeze %dma_wait3A_157 : memref<1x80xi32, #tpu.memory_space<vmem>> -> memref<80xi32, #tpu.memory_space<vmem>>
        %dma_wait3A_159 = arith.constant 0 : i32
        %dma_wait3A_160 = arith.constant 0 : i32
        %dma_wait3A_161 = tpu.memref_slice %arg5[%dma_wait3A_159, %dma_wait3A_160] : memref<10000x16xf32, #tpu.memory_space<hbm>> -> memref<10000x16xf32, #tpu.memory_space<hbm>>
        tpu.wait_indirect_dma semaphore(%arg17 : memref<!tpu.dma_semaphore, #tpu.memory_space<semaphore_mem>>) src(%dma_wait3A_161 : memref<10000x16xf32, #tpu.memory_space<hbm>>) dst(%dma_wait3A_155 : memref<80x16xf32, #tpu.memory_space<vmem>>)
        %add3A_162 = arith.constant 1 : i32
        %add3A_163 = arith.addi %add3A_139, %add3A_162 : i32
        %lt3A_164 = arith.constant 125 : i32
        %lt3A_165 = arith.cmpi slt, %add3A_163, %lt3A_164 : i32
        %convert_element_type3A_166 = arith.extui %lt3A_165 : i1 to i32
        %cond3A_167 = arith.constant 0 : i32
        %cond3A_168 = arith.cmpi ne, %convert_element_type3A_166, %cond3A_167 : i32
        scf.if %cond3A_168 {
          %add3A_185 = arith.constant 1 : i32
          %add3A_186 = arith.addi %add3A_139, %add3A_185 : i32
          %dma_start3A_187 = arith.constant 0 : i32
          %dma_start3A_188 = arith.constant 0 : i32
          %dma_start3A_189 = arith.constant 0 : i32
          %dma_start3A_190 = tpu.memref_slice %arg10[%dma_start3A_187, %dma_start3A_188, %dma_start3A_189] : memref<2x80x80xf32, #tpu.memory_space<vmem>> -> memref<1x80x80xf32, #tpu.memory_space<vmem>>
          %dma_start3A_191 = tpu.memref_squeeze %dma_start3A_190 : memref<1x80x80xf32, #tpu.memory_space<vmem>> -> memref<80x80xf32, #tpu.memory_space<vmem>>
          %dma_start3A_192 = arith.constant 0 : i32
          %dma_start3A_193 = tpu.memref_slice %arg8[%add3A_186, %dma_start3A_192] : memref<125x80xi32, #tpu.memory_space<vmem>> -> memref<1x80xi32, #tpu.memory_space<vmem>>
          %dma_start3A_194 = tpu.memref_squeeze %dma_start3A_193 : memref<1x80xi32, #tpu.memory_space<vmem>> -> memref<80xi32, #tpu.memory_space<vmem>>
          %dma_start3A_195 = arith.constant 0 : i32
          %dma_start3A_196 = arith.constant 0 : i32
          %dma_start3A_197 = tpu.memref_slice %arg4[%dma_start3A_195, %dma_start3A_196] : memref<10000x80xf32, #tpu.memory_space<hbm>> -> memref<10000x80xf32, #tpu.memory_space<hbm>>
          tpu.enqueue_indirect_dma source(%dma_start3A_197 : memref<10000x80xf32, #tpu.memory_space<hbm>>) target(%dma_start3A_191 : memref<80x80xf32, #tpu.memory_space<vmem>>) offsets(%dma_start3A_194 : memref<80xi32, #tpu.memory_space<vmem>>) semaphore(%arg14 : memref<!tpu.dma_semaphore, #tpu.memory_space<semaphore_mem>>)
          %dma_start3A_198 = arith.constant 0 : i32
          %dma_start3A_199 = arith.constant 0 : i32
          %dma_start3A_200 = arith.constant 0 : i32
          %dma_start3A_201 = tpu.memref_slice %arg11[%dma_start3A_198, %dma_start3A_199, %dma_start3A_200] : memref<2x80x16xf32, #tpu.memory_space<vmem>> -> memref<1x80x16xf32, #tpu.memory_space<vmem>>
          %dma_start3A_202 = tpu.memref_squeeze %dma_start3A_201 : memref<1x80x16xf32, #tpu.memory_space<vmem>> -> memref<80x16xf32, #tpu.memory_space<vmem>>
          %dma_start3A_203 = arith.constant 0 : i32
          %dma_start3A_204 = tpu.memref_slice %arg9[%add3A_186, %dma_start3A_203] : memref<125x80xi32, #tpu.memory_space<vmem>> -> memref<1x80xi32, #tpu.memory_space<vmem>>
          %dma_start3A_205 = tpu.memref_squeeze %dma_start3A_204 : memref<1x80xi32, #tpu.memory_space<vmem>> -> memref<80xi32, #tpu.memory_space<vmem>>
          %dma_start3A_206 = arith.constant 0 : i32
          %dma_start3A_207 = arith.constant 0 : i32
          %dma_start3A_208 = tpu.memref_slice %arg5[%dma_start3A_206, %dma_start3A_207] : memref<10000x16xf32, #tpu.memory_space<hbm>> -> memref<10000x16xf32, #tpu.memory_space<hbm>>
          tpu.enqueue_indirect_dma source(%dma_start3A_208 : memref<10000x16xf32, #tpu.memory_space<hbm>>) target(%dma_start3A_202 : memref<80x16xf32, #tpu.memory_space<vmem>>) offsets(%dma_start3A_205 : memref<80xi32, #tpu.memory_space<vmem>>) semaphore(%arg16 : memref<!tpu.dma_semaphore, #tpu.memory_space<semaphore_mem>>)
        } else {
        }
        %ge3A_169 = arith.constant 2 : i32
        %ge3A_170 = arith.cmpi sge, %add3A_139, %ge3A_169 : i32
        %convert_element_type3A_171 = arith.extui %ge3A_170 : i1 to i32
        %cond3A_172 = arith.constant 0 : i32
        %cond3A_173 = arith.cmpi ne, %convert_element_type3A_171, %cond3A_172 : i32
        scf.if %cond3A_173 {
          %sub3A = arith.constant 2 : i32
          %sub3A_185 = arith.subi %add3A_139, %sub3A : i32
          %dma_wait3A_186 = arith.constant 1 : i32
          %dma_wait3A_187 = arith.constant 0 : i32
          %dma_wait3A_188 = arith.constant 0 : i32
          %dma_wait3A_189 = tpu.memref_slice %arg12[%dma_wait3A_186, %dma_wait3A_187, %dma_wait3A_188] : memref<2x80x80xf32, #tpu.memory_space<vmem>> -> memref<1x80x80xf32, #tpu.memory_space<vmem>>
          %dma_wait3A_190 = tpu.memref_squeeze %dma_wait3A_189 : memref<1x80x80xf32, #tpu.memory_space<vmem>> -> memref<80x80xf32, #tpu.memory_space<vmem>>
          %dma_wait3A_191 = arith.constant 0 : i32
          %dma_wait3A_192 = tpu.memref_slice %arg9[%sub3A_185, %dma_wait3A_191] : memref<125x80xi32, #tpu.memory_space<vmem>> -> memref<1x80xi32, #tpu.memory_space<vmem>>
          %dma_wait3A_193 = tpu.memref_squeeze %dma_wait3A_192 : memref<1x80xi32, #tpu.memory_space<vmem>> -> memref<80xi32, #tpu.memory_space<vmem>>
          %dma_wait3A_194 = arith.constant 0 : i32
          %dma_wait3A_195 = arith.constant 0 : i32
          %dma_wait3A_196 = tpu.memref_slice %arg13[%dma_wait3A_194, %dma_wait3A_195] : memref<10000x80xf32, #tpu.memory_space<vmem_shared>> -> memref<10000x80xf32, #tpu.memory_space<vmem_shared>>
          tpu.wait_indirect_dma semaphore(%arg19 : memref<!tpu.dma_semaphore, #tpu.memory_space<semaphore_mem>>) src(%dma_wait3A_190 : memref<80x80xf32, #tpu.memory_space<vmem>>) dst(%dma_wait3A_196 : memref<10000x80xf32, #tpu.memory_space<vmem_shared>>)
        } else {
        }
        %dma_start3A_174 = arith.constant 1 : i32
        %dma_start3A_175 = arith.constant 0 : i32
        %dma_start3A_176 = arith.constant 0 : i32
        %dma_start3A_177 = tpu.memref_slice %arg12[%dma_start3A_174, %dma_start3A_175, %dma_start3A_176] : memref<2x80x80xf32, #tpu.memory_space<vmem>> -> memref<1x80x80xf32, #tpu.memory_space<vmem>>
        %dma_start3A_178 = tpu.memref_squeeze %dma_start3A_177 : memref<1x80x80xf32, #tpu.memory_space<vmem>> -> memref<80x80xf32, #tpu.memory_space<vmem>>
        %dma_start3A_179 = arith.constant 0 : i32
        %dma_start3A_180 = tpu.memref_slice %arg9[%add3A_139, %dma_start3A_179] : memref<125x80xi32, #tpu.memory_space<vmem>> -> memref<1x80xi32, #tpu.memory_space<vmem>>
        %dma_start3A_181 = tpu.memref_squeeze %dma_start3A_180 : memref<1x80xi32, #tpu.memory_space<vmem>> -> memref<80xi32, #tpu.memory_space<vmem>>
        %dma_start3A_182 = arith.constant 0 : i32
        %dma_start3A_183 = arith.constant 0 : i32
        %dma_start3A_184 = tpu.memref_slice %arg13[%dma_start3A_182, %dma_start3A_183] : memref<10000x80xf32, #tpu.memory_space<vmem_shared>> -> memref<10000x80xf32, #tpu.memory_space<vmem_shared>>
        tpu.enqueue_indirect_dma source(%dma_start3A_178 : memref<80x80xf32, #tpu.memory_space<vmem>>) target(%dma_start3A_184 : memref<10000x80xf32, #tpu.memory_space<vmem_shared>>) offsets(%dma_start3A_181 : memref<80xi32, #tpu.memory_space<vmem>>) semaphore(%arg19 : memref<!tpu.dma_semaphore, #tpu.memory_space<semaphore_mem>>) {add = true}
      } else {
      }
    }
    %scan3A_58 = arith.constant 63 : i32
    %dma_wait3A = arith.constant 0 : i32
    %dma_wait3A_59 = arith.constant 124 : i32
    %dma_wait3A_60 = arith.constant 0 : i32
    %dma_wait3A_61 = arith.constant 0 : i32
    %dma_wait3A_62 = tpu.memref_slice %arg12[%dma_wait3A, %dma_wait3A_60, %dma_wait3A_61] : memref<2x80x80xf32, #tpu.memory_space<vmem>> -> memref<1x80x80xf32, #tpu.memory_space<vmem>>
    %dma_wait3A_63 = tpu.memref_squeeze %dma_wait3A_62 : memref<1x80x80xf32, #tpu.memory_space<vmem>> -> memref<80x80xf32, #tpu.memory_space<vmem>>
    %dma_wait3A_64 = arith.constant 0 : i32
    %dma_wait3A_65 = tpu.memref_slice %arg9[%dma_wait3A_59, %dma_wait3A_64] : memref<125x80xi32, #tpu.memory_space<vmem>> -> memref<1x80xi32, #tpu.memory_space<vmem>>
    %dma_wait3A_66 = tpu.memref_squeeze %dma_wait3A_65 : memref<1x80xi32, #tpu.memory_space<vmem>> -> memref<80xi32, #tpu.memory_space<vmem>>
    %dma_wait3A_67 = arith.constant 0 : i32
    %dma_wait3A_68 = arith.constant 0 : i32
    %dma_wait3A_69 = tpu.memref_slice %arg13[%dma_wait3A_67, %dma_wait3A_68] : memref<10000x80xf32, #tpu.memory_space<vmem_shared>> -> memref<10000x80xf32, #tpu.memory_space<vmem_shared>>
    tpu.wait_indirect_dma semaphore(%arg18 : memref<!tpu.dma_semaphore, #tpu.memory_space<semaphore_mem>>) src(%dma_wait3A_63 : memref<80x80xf32, #tpu.memory_space<vmem>>) dst(%dma_wait3A_69 : memref<10000x80xf32, #tpu.memory_space<vmem_shared>>)
    %dma_wait3A_70 = arith.constant 1 : i32
    %dma_wait3A_71 = arith.constant 123 : i32
    %dma_wait3A_72 = arith.constant 0 : i32
    %dma_wait3A_73 = arith.constant 0 : i32
    %dma_wait3A_74 = tpu.memref_slice %arg12[%dma_wait3A_70, %dma_wait3A_72, %dma_wait3A_73] : memref<2x80x80xf32, #tpu.memory_space<vmem>> -> memref<1x80x80xf32, #tpu.memory_space<vmem>>
    %dma_wait3A_75 = tpu.memref_squeeze %dma_wait3A_74 : memref<1x80x80xf32, #tpu.memory_space<vmem>> -> memref<80x80xf32, #tpu.memory_space<vmem>>
    %dma_wait3A_76 = arith.constant 0 : i32
    %dma_wait3A_77 = tpu.memref_slice %arg9[%dma_wait3A_71, %dma_wait3A_76] : memref<125x80xi32, #tpu.memory_space<vmem>> -> memref<1x80xi32, #tpu.memory_space<vmem>>
    %dma_wait3A_78 = tpu.memref_squeeze %dma_wait3A_77 : memref<1x80xi32, #tpu.memory_space<vmem>> -> memref<80xi32, #tpu.memory_space<vmem>>
    %dma_wait3A_79 = arith.constant 0 : i32
    %dma_wait3A_80 = arith.constant 0 : i32
    %dma_wait3A_81 = tpu.memref_slice %arg13[%dma_wait3A_79, %dma_wait3A_80] : memref<10000x80xf32, #tpu.memory_space<vmem_shared>> -> memref<10000x80xf32, #tpu.memory_space<vmem_shared>>
    tpu.wait_indirect_dma semaphore(%arg19 : memref<!tpu.dma_semaphore, #tpu.memory_space<semaphore_mem>>) src(%dma_wait3A_75 : memref<80x80xf32, #tpu.memory_space<vmem>>) dst(%dma_wait3A_81 : memref<10000x80xf32, #tpu.memory_space<vmem_shared>>)
    %barrier3A_82 = arith.constant 0 : index
    tpu.barrier barrier_id(%barrier3A_82)
    %mul3A_83 = arith.constant 625 : i32
    %mul3A_84 = arith.muli %arg1, %mul3A_83 : i32
    %mul3A_85 = arith.constant 625 : i32
    %mul3A_86 = arith.muli %arg1, %mul3A_85 : i32
    "tpu.region"() ({
      %run_scoped3A = tpu.sem_alloc : memref<!tpu.dma_semaphore, #tpu.memory_space<semaphore_mem>>
      %dma_start3A_87 = arith.constant 0 : i32
      %dma_start3A_88 = arith.constant 0 : i32
      %dma_start3A_89 = tpu.memref_slice %arg7[%arg0, %dma_start3A_87, %dma_start3A_88] : memref<2x10000x80xf32, #tpu.memory_space<hbm>> -> memref<1x10000x80xf32, #tpu.memory_space<hbm>>
      %dma_start3A_90 = tpu.memref_squeeze %dma_start3A_89 : memref<1x10000x80xf32, #tpu.memory_space<hbm>> -> memref<10000x80xf32, #tpu.memory_space<hbm>>
      %dma_start3A_91 = arith.constant 0 : i32
      %dma_start3A_92 = tpu.memref_slice %dma_start3A_90[%mul3A_86, %dma_start3A_91] : memref<10000x80xf32, #tpu.memory_space<hbm>> -> memref<625x80xf32, #tpu.memory_space<hbm>>
      %dma_start3A_93 = arith.constant 0 : i32
      %dma_start3A_94 = tpu.memref_slice %arg13[%mul3A_84, %dma_start3A_93] : memref<10000x80xf32, #tpu.memory_space<vmem_shared>> -> memref<625x80xf32, #tpu.memory_space<vmem_shared>>
      tpu.enqueue_dma source(%dma_start3A_94 : memref<625x80xf32, #tpu.memory_space<vmem_shared>>) target(%dma_start3A_92 : memref<625x80xf32, #tpu.memory_space<hbm>>) target_semaphore(%run_scoped3A : memref<!tpu.dma_semaphore, #tpu.memory_space<semaphore_mem>>)
      %dma_wait3A_95 = arith.constant 0 : i32
      %dma_wait3A_96 = arith.constant 0 : i32
      %dma_wait3A_97 = tpu.memref_slice %arg7[%arg0, %dma_wait3A_95, %dma_wait3A_96] : memref<2x10000x80xf32, #tpu.memory_space<hbm>> -> memref<1x10000x80xf32, #tpu.memory_space<hbm>>
      %dma_wait3A_98 = tpu.memref_squeeze %dma_wait3A_97 : memref<1x10000x80xf32, #tpu.memory_space<hbm>> -> memref<10000x80xf32, #tpu.memory_space<hbm>>
      %dma_wait3A_99 = arith.constant 0 : i32
      %dma_wait3A_100 = tpu.memref_slice %dma_wait3A_98[%mul3A_86, %dma_wait3A_99] : memref<10000x80xf32, #tpu.memory_space<hbm>> -> memref<625x80xf32, #tpu.memory_space<hbm>>
      %dma_wait3A_101 = arith.constant 0 : i32
      %dma_wait3A_102 = tpu.memref_slice %arg13[%mul3A_84, %dma_wait3A_101] : memref<10000x80xf32, #tpu.memory_space<vmem_shared>> -> memref<625x80xf32, #tpu.memory_space<vmem_shared>>
      tpu.wait_dma2 semaphore(%run_scoped3A : memref<!tpu.dma_semaphore, #tpu.memory_space<semaphore_mem>>) src(%dma_wait3A_102 : memref<625x80xf32, #tpu.memory_space<vmem_shared>>) dst(%dma_wait3A_100 : memref<625x80xf32, #tpu.memory_space<hbm>>)
      tpu.yield
    }) : () -> ()
    return
  }
}

#map = affine_map<(d0, d1) -> (0, 0, 0)>
#map1 = affine_map<(d0, d1) -> (0, 0)>
module attributes {stable_mosaic.version = 14 : i64} {
  func.func @_edge_body(%arg0: i32, %arg1: i32, %arg2: memref<32x125x80xi32, #tpu.memory_space<hbm>>, %arg3: memref<32x125x80xi32, #tpu.memory_space<hbm>>, %arg4: memref<10000x80xf32, #tpu.memory_space<hbm>>, %arg5: memref<10000x16xf32, #tpu.memory_space<hbm>>, %arg6: memref<10000x80xf32, #tpu.memory_space<hbm>>, %arg7: memref<2x10000x80xf32, #tpu.memory_space<hbm>>, %arg8: memref<125x80xi32, #tpu.memory_space<vmem>>, %arg9: memref<125x80xi32, #tpu.memory_space<vmem>>, %arg10: memref<2x80x80xf32, #tpu.memory_space<vmem>>, %arg11: memref<2x80x16xf32, #tpu.memory_space<vmem>>, %arg12: memref<2x80x80xf32, #tpu.memory_space<vmem>>, %arg13: memref<10000x80xf32, #tpu.memory_space<vmem_shared>>, %arg14: memref<!tpu.dma_semaphore, #tpu.memory_space<semaphore_mem>>, %arg15: memref<!tpu.dma_semaphore, #tpu.memory_space<semaphore_mem>>, %arg16: memref<!tpu.dma_semaphore, #tpu.memory_space<semaphore_mem>>, %arg17: memref<!tpu.dma_semaphore, #tpu.memory_space<semaphore_mem>>, %arg18: memref<!tpu.dma_semaphore, #tpu.memory_space<semaphore_mem>>, %arg19: memref<!tpu.dma_semaphore, #tpu.memory_space<semaphore_mem>>) attributes {dimension_semantics = [#tpu.dimension_semantics<core_parallel>, #tpu.dimension_semantics<subcore_parallel>], iteration_bounds = array<i64: 2, 16>, scalar_prefetch = 0 : i64, scratch_operands = 12 : i64, tpu.core_type = #tpu.core_type<sc_vector_subcore>, window_params = [{transform_indices = #map}, {transform_indices = #map}, {transform_indices = #map1}, {transform_indices = #map1}, {transform_indices = #map1}, {transform_indices = #map}]} {
    %mul3A = arith.constant 2 : i32
    %mul3A_0 = arith.muli %arg1, %mul3A : i32
    %add3A = arith.addi %mul3A_0, %arg0 : i32
    %mul3A_1 = arith.constant 625 : i32
    %mul3A_2 = arith.muli %arg1, %mul3A_1 : i32
    %mul3A_3 = arith.constant 625 : i32
    %mul3A_4 = arith.muli %arg1, %mul3A_3 : i32
    "tpu.region"() ({
      %run_scoped3A = tpu.sem_alloc : memref<!tpu.dma_semaphore, #tpu.memory_space<semaphore_mem>>
      %dma_start3A_87 = arith.constant 0 : i32
      %dma_start3A_88 = tpu.memref_slice %arg13[%mul3A_4, %dma_start3A_87] : memref<10000x80xf32, #tpu.memory_space<vmem_shared>> -> memref<625x80xf32, #tpu.memory_space<vmem_shared>>
      %dma_start3A_89 = arith.constant 0 : i32
      %dma_start3A_90 = tpu.memref_slice %arg6[%mul3A_2, %dma_start3A_89] : memref<10000x80xf32, #tpu.memory_space<hbm>> -> memref<625x80xf32, #tpu.memory_space<hbm>>
      tpu.enqueue_dma source(%dma_start3A_90 : memref<625x80xf32, #tpu.memory_space<hbm>>) target(%dma_start3A_88 : memref<625x80xf32, #tpu.memory_space<vmem_shared>>) target_semaphore(%run_scoped3A : memref<!tpu.dma_semaphore, #tpu.memory_space<semaphore_mem>>)
      %dma_wait3A_91 = arith.constant 0 : i32
      %dma_wait3A_92 = tpu.memref_slice %arg13[%mul3A_4, %dma_wait3A_91] : memref<10000x80xf32, #tpu.memory_space<vmem_shared>> -> memref<625x80xf32, #tpu.memory_space<vmem_shared>>
      %dma_wait3A_93 = arith.constant 0 : i32
      %dma_wait3A_94 = tpu.memref_slice %arg6[%mul3A_2, %dma_wait3A_93] : memref<10000x80xf32, #tpu.memory_space<hbm>> -> memref<625x80xf32, #tpu.memory_space<hbm>>
      tpu.wait_dma2 semaphore(%run_scoped3A : memref<!tpu.dma_semaphore, #tpu.memory_space<semaphore_mem>>) src(%dma_wait3A_94 : memref<625x80xf32, #tpu.memory_space<hbm>>) dst(%dma_wait3A_92 : memref<625x80xf32, #tpu.memory_space<vmem_shared>>)
      tpu.yield
    }) : () -> ()
    "tpu.region"() ({
      %run_scoped3A = tpu.sem_alloc : memref<!tpu.dma_semaphore, #tpu.memory_space<semaphore_mem>>
      %dma_start3A_87 = arith.constant 0 : i32
      %dma_start3A_88 = arith.constant 0 : i32
      %dma_start3A_89 = tpu.memref_slice %arg2[%add3A, %dma_start3A_87, %dma_start3A_88] : memref<32x125x80xi32, #tpu.memory_space<hbm>> -> memref<1x125x80xi32, #tpu.memory_space<hbm>>
      %dma_start3A_90 = tpu.memref_squeeze %dma_start3A_89 : memref<1x125x80xi32, #tpu.memory_space<hbm>> -> memref<125x80xi32, #tpu.memory_space<hbm>>
      %dma_start3A_91 = arith.constant 0 : i32
      %dma_start3A_92 = arith.constant 0 : i32
      %dma_start3A_93 = tpu.memref_slice %arg2[%add3A, %dma_start3A_91, %dma_start3A_92] : memref<32x125x80xi32, #tpu.memory_space<hbm>> -> memref<1x125x80xi32, #tpu.memory_space<hbm>>
      %dma_start3A_94 = tpu.memref_squeeze %dma_start3A_93 : memref<1x125x80xi32, #tpu.memory_space<hbm>> -> memref<125x80xi32, #tpu.memory_space<hbm>>
      tpu.enqueue_dma source(%dma_start3A_94 : memref<125x80xi32, #tpu.memory_space<hbm>>) target(%arg8 : memref<125x80xi32, #tpu.memory_space<vmem>>) target_semaphore(%run_scoped3A : memref<!tpu.dma_semaphore, #tpu.memory_space<semaphore_mem>>)
      %dma_wait3A_95 = arith.constant 0 : i32
      %dma_wait3A_96 = arith.constant 0 : i32
      %dma_wait3A_97 = tpu.memref_slice %arg2[%add3A, %dma_wait3A_95, %dma_wait3A_96] : memref<32x125x80xi32, #tpu.memory_space<hbm>> -> memref<1x125x80xi32, #tpu.memory_space<hbm>>
      %dma_wait3A_98 = tpu.memref_squeeze %dma_wait3A_97 : memref<1x125x80xi32, #tpu.memory_space<hbm>> -> memref<125x80xi32, #tpu.memory_space<hbm>>
      %dma_wait3A_99 = arith.constant 0 : i32
      %dma_wait3A_100 = arith.constant 0 : i32
      %dma_wait3A_101 = tpu.memref_slice %arg2[%add3A, %dma_wait3A_99, %dma_wait3A_100] : memref<32x125x80xi32, #tpu.memory_space<hbm>> -> memref<1x125x80xi32, #tpu.memory_space<hbm>>
      %dma_wait3A_102 = tpu.memref_squeeze %dma_wait3A_101 : memref<1x125x80xi32, #tpu.memory_space<hbm>> -> memref<125x80xi32, #tpu.memory_space<hbm>>
      tpu.wait_dma2 semaphore(%run_scoped3A : memref<!tpu.dma_semaphore, #tpu.memory_space<semaphore_mem>>) src(%dma_wait3A_102 : memref<125x80xi32, #tpu.memory_space<hbm>>) dst(%arg8 : memref<125x80xi32, #tpu.memory_space<vmem>>)
      tpu.yield
    }) : () -> ()
    "tpu.region"() ({
      %run_scoped3A = tpu.sem_alloc : memref<!tpu.dma_semaphore, #tpu.memory_space<semaphore_mem>>
      %dma_start3A_87 = arith.constant 0 : i32
      %dma_start3A_88 = arith.constant 0 : i32
      %dma_start3A_89 = tpu.memref_slice %arg3[%add3A, %dma_start3A_87, %dma_start3A_88] : memref<32x125x80xi32, #tpu.memory_space<hbm>> -> memref<1x125x80xi32, #tpu.memory_space<hbm>>
      %dma_start3A_90 = tpu.memref_squeeze %dma_start3A_89 : memref<1x125x80xi32, #tpu.memory_space<hbm>> -> memref<125x80xi32, #tpu.memory_space<hbm>>
      %dma_start3A_91 = arith.constant 0 : i32
      %dma_start3A_92 = arith.constant 0 : i32
      %dma_start3A_93 = tpu.memref_slice %arg3[%add3A, %dma_start3A_91, %dma_start3A_92] : memref<32x125x80xi32, #tpu.memory_space<hbm>> -> memref<1x125x80xi32, #tpu.memory_space<hbm>>
      %dma_start3A_94 = tpu.memref_squeeze %dma_start3A_93 : memref<1x125x80xi32, #tpu.memory_space<hbm>> -> memref<125x80xi32, #tpu.memory_space<hbm>>
      tpu.enqueue_dma source(%dma_start3A_94 : memref<125x80xi32, #tpu.memory_space<hbm>>) target(%arg9 : memref<125x80xi32, #tpu.memory_space<vmem>>) target_semaphore(%run_scoped3A : memref<!tpu.dma_semaphore, #tpu.memory_space<semaphore_mem>>)
      %dma_wait3A_95 = arith.constant 0 : i32
      %dma_wait3A_96 = arith.constant 0 : i32
      %dma_wait3A_97 = tpu.memref_slice %arg3[%add3A, %dma_wait3A_95, %dma_wait3A_96] : memref<32x125x80xi32, #tpu.memory_space<hbm>> -> memref<1x125x80xi32, #tpu.memory_space<hbm>>
      %dma_wait3A_98 = tpu.memref_squeeze %dma_wait3A_97 : memref<1x125x80xi32, #tpu.memory_space<hbm>> -> memref<125x80xi32, #tpu.memory_space<hbm>>
      %dma_wait3A_99 = arith.constant 0 : i32
      %dma_wait3A_100 = arith.constant 0 : i32
      %dma_wait3A_101 = tpu.memref_slice %arg3[%add3A, %dma_wait3A_99, %dma_wait3A_100] : memref<32x125x80xi32, #tpu.memory_space<hbm>> -> memref<1x125x80xi32, #tpu.memory_space<hbm>>
      %dma_wait3A_102 = tpu.memref_squeeze %dma_wait3A_101 : memref<1x125x80xi32, #tpu.memory_space<hbm>> -> memref<125x80xi32, #tpu.memory_space<hbm>>
      tpu.wait_dma2 semaphore(%run_scoped3A : memref<!tpu.dma_semaphore, #tpu.memory_space<semaphore_mem>>) src(%dma_wait3A_102 : memref<125x80xi32, #tpu.memory_space<hbm>>) dst(%arg9 : memref<125x80xi32, #tpu.memory_space<vmem>>)
      tpu.yield
    }) : () -> ()
    %barrier3A = arith.constant 0 : index
    tpu.barrier barrier_id(%barrier3A)
    %iota3A = tpu.iota {dimensions = array<i32: 0>} : vector<16xi32>
    %shift_right_logical3A = arith.constant 3 : i32
    %shift_right_logical3A_5 = vector.broadcast %shift_right_logical3A : i32 to vector<16xi32>
    %shift_right_logical3A_6 = arith.shrui %iota3A, %shift_right_logical3A_5 : vector<16xi32>
    %add3A_7 = arith.constant 0 : i32
    %add3A_8 = vector.broadcast %add3A_7 : i32 to vector<16xi32>
    %add3A_9 = arith.addi %add3A_8, %shift_right_logical3A_6 : vector<16xi32>
    %iota3A_10 = tpu.iota {dimensions = array<i32: 0>} : vector<16xi32>
    %shift_right_logical3A_11 = arith.constant 3 : i32
    %shift_right_logical3A_12 = vector.broadcast %shift_right_logical3A_11 : i32 to vector<16xi32>
    %shift_right_logical3A_13 = arith.shrui %iota3A_10, %shift_right_logical3A_12 : vector<16xi32>
    %add3A_14 = arith.constant 2 : i32
    %add3A_15 = vector.broadcast %add3A_14 : i32 to vector<16xi32>
    %add3A_16 = arith.addi %add3A_15, %shift_right_logical3A_13 : vector<16xi32>
    %iota3A_17 = tpu.iota {dimensions = array<i32: 0>} : vector<16xi32>
    %shift_right_logical3A_18 = arith.constant 3 : i32
    %shift_right_logical3A_19 = vector.broadcast %shift_right_logical3A_18 : i32 to vector<16xi32>
    %shift_right_logical3A_20 = arith.shrui %iota3A_17, %shift_right_logical3A_19 : vector<16xi32>
    %add3A_21 = arith.constant 4 : i32
    %add3A_22 = vector.broadcast %add3A_21 : i32 to vector<16xi32>
    %add3A_23 = arith.addi %add3A_22, %shift_right_logical3A_20 : vector<16xi32>
    %iota3A_24 = tpu.iota {dimensions = array<i32: 0>} : vector<16xi32>
    %shift_right_logical3A_25 = arith.constant 3 : i32
    %shift_right_logical3A_26 = vector.broadcast %shift_right_logical3A_25 : i32 to vector<16xi32>
    %shift_right_logical3A_27 = arith.shrui %iota3A_24, %shift_right_logical3A_26 : vector<16xi32>
    %add3A_28 = arith.constant 6 : i32
    %add3A_29 = vector.broadcast %add3A_28 : i32 to vector<16xi32>
    %add3A_30 = arith.addi %add3A_29, %shift_right_logical3A_27 : vector<16xi32>
    %dma_start3A = arith.constant 0 : i32
    %dma_start3A_31 = arith.constant 0 : i32
    %dma_start3A_32 = arith.constant 0 : i32
    %dma_start3A_33 = arith.constant 0 : i32
    %dma_start3A_34 = tpu.memref_slice %arg10[%dma_start3A_31, %dma_start3A_32, %dma_start3A_33] : memref<2x80x80xf32, #tpu.memory_space<vmem>> -> memref<1x80x80xf32, #tpu.memory_space<vmem>>
    %dma_start3A_35 = tpu.memref_squeeze %dma_start3A_34 : memref<1x80x80xf32, #tpu.memory_space<vmem>> -> memref<80x80xf32, #tpu.memory_space<vmem>>
    %dma_start3A_36 = arith.constant 0 : i32
    %dma_start3A_37 = tpu.memref_slice %arg8[%dma_start3A, %dma_start3A_36] : memref<125x80xi32, #tpu.memory_space<vmem>> -> memref<1x80xi32, #tpu.memory_space<vmem>>
    %dma_start3A_38 = tpu.memref_squeeze %dma_start3A_37 : memref<1x80xi32, #tpu.memory_space<vmem>> -> memref<80xi32, #tpu.memory_space<vmem>>
    %dma_start3A_39 = arith.constant 0 : i32
    %dma_start3A_40 = arith.constant 0 : i32
    %dma_start3A_41 = tpu.memref_slice %arg4[%dma_start3A_39, %dma_start3A_40] : memref<10000x80xf32, #tpu.memory_space<hbm>> -> memref<10000x80xf32, #tpu.memory_space<hbm>>
    tpu.enqueue_indirect_dma source(%dma_start3A_41 : memref<10000x80xf32, #tpu.memory_space<hbm>>) target(%dma_start3A_35 : memref<80x80xf32, #tpu.memory_space<vmem>>) offsets(%dma_start3A_38 : memref<80xi32, #tpu.memory_space<vmem>>) semaphore(%arg14 : memref<!tpu.dma_semaphore, #tpu.memory_space<semaphore_mem>>)
    %dma_start3A_42 = arith.constant 0 : i32
    %dma_start3A_43 = arith.constant 0 : i32
    %dma_start3A_44 = arith.constant 0 : i32
    %dma_start3A_45 = arith.constant 0 : i32
    %dma_start3A_46 = tpu.memref_slice %arg11[%dma_start3A_43, %dma_start3A_44, %dma_start3A_45] : memref<2x80x16xf32, #tpu.memory_space<vmem>> -> memref<1x80x16xf32, #tpu.memory_space<vmem>>
    %dma_start3A_47 = tpu.memref_squeeze %dma_start3A_46 : memref<1x80x16xf32, #tpu.memory_space<vmem>> -> memref<80x16xf32, #tpu.memory_space<vmem>>
    %dma_start3A_48 = arith.constant 0 : i32
    %dma_start3A_49 = tpu.memref_slice %arg9[%dma_start3A_42, %dma_start3A_48] : memref<125x80xi32, #tpu.memory_space<vmem>> -> memref<1x80xi32, #tpu.memory_space<vmem>>
    %dma_start3A_50 = tpu.memref_squeeze %dma_start3A_49 : memref<1x80xi32, #tpu.memory_space<vmem>> -> memref<80xi32, #tpu.memory_space<vmem>>
    %dma_start3A_51 = arith.constant 0 : i32
    %dma_start3A_52 = arith.constant 0 : i32
    %dma_start3A_53 = tpu.memref_slice %arg5[%dma_start3A_51, %dma_start3A_52] : memref<10000x16xf32, #tpu.memory_space<hbm>> -> memref<10000x16xf32, #tpu.memory_space<hbm>>
    tpu.enqueue_indirect_dma source(%dma_start3A_53 : memref<10000x16xf32, #tpu.memory_space<hbm>>) target(%dma_start3A_47 : memref<80x16xf32, #tpu.memory_space<vmem>>) offsets(%dma_start3A_50 : memref<80xi32, #tpu.memory_space<vmem>>) semaphore(%arg16 : memref<!tpu.dma_semaphore, #tpu.memory_space<semaphore_mem>>)
    %scan3A = arith.constant 0 : i32
    %scan3A_54 = arith.constant 0 : i32
    %scan3A_55 = arith.constant 63 : i32
    %scan3A_56 = arith.addi %scan3A_54, %scan3A_55 : i32
    %scan3A_57 = arith.constant 1 : i32
    scf.for %scan3A_87 = %scan3A_54 to %scan3A_56 step %scan3A_57  : i32 {
      %mul3A_88 = arith.constant 2 : i32
      %mul3A_89 = arith.muli %scan3A_87, %mul3A_88 : i32
      %dma_wait3A_90 = arith.constant 0 : i32
      %dma_wait3A_91 = arith.constant 0 : i32
      %dma_wait3A_92 = arith.constant 0 : i32
      %dma_wait3A_93 = tpu.memref_slice %arg10[%dma_wait3A_90, %dma_wait3A_91, %dma_wait3A_92] : memref<2x80x80xf32, #tpu.memory_space<vmem>> -> memref<1x80x80xf32, #tpu.memory_space<vmem>>
      %dma_wait3A_94 = tpu.memref_squeeze %dma_wait3A_93 : memref<1x80x80xf32, #tpu.memory_space<vmem>> -> memref<80x80xf32, #tpu.memory_space<vmem>>
      %dma_wait3A_95 = arith.constant 0 : i32
      %dma_wait3A_96 = tpu.memref_slice %arg8[%mul3A_89, %dma_wait3A_95] : memref<125x80xi32, #tpu.memory_space<vmem>> -> memref<1x80xi32, #tpu.memory_space<vmem>>
      %dma_wait3A_97 = tpu.memref_squeeze %dma_wait3A_96 : memref<1x80xi32, #tpu.memory_space<vmem>> -> memref<80xi32, #tpu.memory_space<vmem>>
      %dma_wait3A_98 = arith.constant 0 : i32
      %dma_wait3A_99 = arith.constant 0 : i32
      %dma_wait3A_100 = tpu.memref_slice %arg4[%dma_wait3A_98, %dma_wait3A_99] : memref<10000x80xf32, #tpu.memory_space<hbm>> -> memref<10000x80xf32, #tpu.memory_space<hbm>>
      tpu.wait_indirect_dma semaphore(%arg14 : memref<!tpu.dma_semaphore, #tpu.memory_space<semaphore_mem>>) src(%dma_wait3A_100 : memref<10000x80xf32, #tpu.memory_space<hbm>>) dst(%dma_wait3A_94 : memref<80x80xf32, #tpu.memory_space<vmem>>)
      %dma_wait3A_101 = arith.constant 0 : i32
      %dma_wait3A_102 = arith.constant 0 : i32
      %dma_wait3A_103 = arith.constant 0 : i32
      %dma_wait3A_104 = tpu.memref_slice %arg11[%dma_wait3A_101, %dma_wait3A_102, %dma_wait3A_103] : memref<2x80x16xf32, #tpu.memory_space<vmem>> -> memref<1x80x16xf32, #tpu.memory_space<vmem>>
      %dma_wait3A_105 = tpu.memref_squeeze %dma_wait3A_104 : memref<1x80x16xf32, #tpu.memory_space<vmem>> -> memref<80x16xf32, #tpu.memory_space<vmem>>
      %dma_wait3A_106 = arith.constant 0 : i32
      %dma_wait3A_107 = tpu.memref_slice %arg9[%mul3A_89, %dma_wait3A_106] : memref<125x80xi32, #tpu.memory_space<vmem>> -> memref<1x80xi32, #tpu.memory_space<vmem>>
      %dma_wait3A_108 = tpu.memref_squeeze %dma_wait3A_107 : memref<1x80xi32, #tpu.memory_space<vmem>> -> memref<80xi32, #tpu.memory_space<vmem>>
      %dma_wait3A_109 = arith.constant 0 : i32
      %dma_wait3A_110 = arith.constant 0 : i32
      %dma_wait3A_111 = tpu.memref_slice %arg5[%dma_wait3A_109, %dma_wait3A_110] : memref<10000x16xf32, #tpu.memory_space<hbm>> -> memref<10000x16xf32, #tpu.memory_space<hbm>>
      tpu.wait_indirect_dma semaphore(%arg16 : memref<!tpu.dma_semaphore, #tpu.memory_space<semaphore_mem>>) src(%dma_wait3A_111 : memref<10000x16xf32, #tpu.memory_space<hbm>>) dst(%dma_wait3A_105 : memref<80x16xf32, #tpu.memory_space<vmem>>)
      %add3A_112 = arith.constant 1 : i32
      %add3A_113 = arith.addi %mul3A_89, %add3A_112 : i32
      %lt3A = arith.constant 125 : i32
      %lt3A_114 = arith.cmpi slt, %add3A_113, %lt3A : i32
      %convert_element_type3A = arith.extui %lt3A_114 : i1 to i32
      %cond3A = arith.constant 0 : i32
      %cond3A_115 = arith.cmpi ne, %convert_element_type3A, %cond3A : i32
      scf.if %cond3A_115 {
        %add3A_138 = arith.constant 1 : i32
        %add3A_139 = arith.addi %mul3A_89, %add3A_138 : i32
        %dma_start3A_140 = arith.constant 1 : i32
        %dma_start3A_141 = arith.constant 0 : i32
        %dma_start3A_142 = arith.constant 0 : i32
        %dma_start3A_143 = tpu.memref_slice %arg10[%dma_start3A_140, %dma_start3A_141, %dma_start3A_142] : memref<2x80x80xf32, #tpu.memory_space<vmem>> -> memref<1x80x80xf32, #tpu.memory_space<vmem>>
        %dma_start3A_144 = tpu.memref_squeeze %dma_start3A_143 : memref<1x80x80xf32, #tpu.memory_space<vmem>> -> memref<80x80xf32, #tpu.memory_space<vmem>>
        %dma_start3A_145 = arith.constant 0 : i32
        %dma_start3A_146 = tpu.memref_slice %arg8[%add3A_139, %dma_start3A_145] : memref<125x80xi32, #tpu.memory_space<vmem>> -> memref<1x80xi32, #tpu.memory_space<vmem>>
        %dma_start3A_147 = tpu.memref_squeeze %dma_start3A_146 : memref<1x80xi32, #tpu.memory_space<vmem>> -> memref<80xi32, #tpu.memory_space<vmem>>
        %dma_start3A_148 = arith.constant 0 : i32
        %dma_start3A_149 = arith.constant 0 : i32
        %dma_start3A_150 = tpu.memref_slice %arg4[%dma_start3A_148, %dma_start3A_149] : memref<10000x80xf32, #tpu.memory_space<hbm>> -> memref<10000x80xf32, #tpu.memory_space<hbm>>
        tpu.enqueue_indirect_dma source(%dma_start3A_150 : memref<10000x80xf32, #tpu.memory_space<hbm>>) target(%dma_start3A_144 : memref<80x80xf32, #tpu.memory_space<vmem>>) offsets(%dma_start3A_147 : memref<80xi32, #tpu.memory_space<vmem>>) semaphore(%arg15 : memref<!tpu.dma_semaphore, #tpu.memory_space<semaphore_mem>>)
        %dma_start3A_151 = arith.constant 1 : i32
        %dma_start3A_152 = arith.constant 0 : i32
        %dma_start3A_153 = arith.constant 0 : i32
        %dma_start3A_154 = tpu.memref_slice %arg11[%dma_start3A_151, %dma_start3A_152, %dma_start3A_153] : memref<2x80x16xf32, #tpu.memory_space<vmem>> -> memref<1x80x16xf32, #tpu.memory_space<vmem>>
        %dma_start3A_155 = tpu.memref_squeeze %dma_start3A_154 : memref<1x80x16xf32, #tpu.memory_space<vmem>> -> memref<80x16xf32, #tpu.memory_space<vmem>>
        %dma_start3A_156 = arith.constant 0 : i32
        %dma_start3A_157 = tpu.memref_slice %arg9[%add3A_139, %dma_start3A_156] : memref<125x80xi32, #tpu.memory_space<vmem>> -> memref<1x80xi32, #tpu.memory_space<vmem>>
        %dma_start3A_158 = tpu.memref_squeeze %dma_start3A_157 : memref<1x80xi32, #tpu.memory_space<vmem>> -> memref<80xi32, #tpu.memory_space<vmem>>
        %dma_start3A_159 = arith.constant 0 : i32
        %dma_start3A_160 = arith.constant 0 : i32
        %dma_start3A_161 = tpu.memref_slice %arg5[%dma_start3A_159, %dma_start3A_160] : memref<10000x16xf32, #tpu.memory_space<hbm>> -> memref<10000x16xf32, #tpu.memory_space<hbm>>
        tpu.enqueue_indirect_dma source(%dma_start3A_161 : memref<10000x16xf32, #tpu.memory_space<hbm>>) target(%dma_start3A_155 : memref<80x16xf32, #tpu.memory_space<vmem>>) offsets(%dma_start3A_158 : memref<80xi32, #tpu.memory_space<vmem>>) semaphore(%arg17 : memref<!tpu.dma_semaphore, #tpu.memory_space<semaphore_mem>>)
      } else {
      }
      %ge3A = arith.constant 2 : i32
      %ge3A_116 = arith.cmpi sge, %mul3A_89, %ge3A : i32
      %convert_element_type3A_117 = arith.extui %ge3A_116 : i1 to i32
      %cond3A_118 = arith.constant 0 : i32
      %cond3A_119 = arith.cmpi ne, %convert_element_type3A_117, %cond3A_118 : i32
      scf.if %cond3A_119 {
        %sub3A = arith.constant 2 : i32
        %sub3A_138 = arith.subi %mul3A_89, %sub3A : i32
        %dma_wait3A_139 = arith.constant 0 : i32
        %dma_wait3A_140 = arith.constant 0 : i32
        %dma_wait3A_141 = arith.constant 0 : i32
        %dma_wait3A_142 = tpu.memref_slice %arg12[%dma_wait3A_139, %dma_wait3A_140, %dma_wait3A_141] : memref<2x80x80xf32, #tpu.memory_space<vmem>> -> memref<1x80x80xf32, #tpu.memory_space<vmem>>
        %dma_wait3A_143 = tpu.memref_squeeze %dma_wait3A_142 : memref<1x80x80xf32, #tpu.memory_space<vmem>> -> memref<80x80xf32, #tpu.memory_space<vmem>>
        %dma_wait3A_144 = arith.constant 0 : i32
        %dma_wait3A_145 = tpu.memref_slice %arg9[%sub3A_138, %dma_wait3A_144] : memref<125x80xi32, #tpu.memory_space<vmem>> -> memref<1x80xi32, #tpu.memory_space<vmem>>
        %dma_wait3A_146 = tpu.memref_squeeze %dma_wait3A_145 : memref<1x80xi32, #tpu.memory_space<vmem>> -> memref<80xi32, #tpu.memory_space<vmem>>
        %dma_wait3A_147 = arith.constant 0 : i32
        %dma_wait3A_148 = arith.constant 0 : i32
        %dma_wait3A_149 = tpu.memref_slice %arg13[%dma_wait3A_147, %dma_wait3A_148] : memref<10000x80xf32, #tpu.memory_space<vmem_shared>> -> memref<10000x80xf32, #tpu.memory_space<vmem_shared>>
        tpu.wait_indirect_dma semaphore(%arg18 : memref<!tpu.dma_semaphore, #tpu.memory_space<semaphore_mem>>) src(%dma_wait3A_143 : memref<80x80xf32, #tpu.memory_space<vmem>>) dst(%dma_wait3A_149 : memref<10000x80xf32, #tpu.memory_space<vmem_shared>>)
      } else {
      }
      %dma_start3A_120 = arith.constant 0 : i32
      %dma_start3A_121 = arith.constant 0 : i32
      %dma_start3A_122 = arith.constant 0 : i32
      %dma_start3A_123 = tpu.memref_slice %arg12[%dma_start3A_120, %dma_start3A_121, %dma_start3A_122] : memref<2x80x80xf32, #tpu.memory_space<vmem>> -> memref<1x80x80xf32, #tpu.memory_space<vmem>>
      %dma_start3A_124 = tpu.memref_squeeze %dma_start3A_123 : memref<1x80x80xf32, #tpu.memory_space<vmem>> -> memref<80x80xf32, #tpu.memory_space<vmem>>
      %dma_start3A_125 = arith.constant 0 : i32
      %dma_start3A_126 = tpu.memref_slice %arg9[%mul3A_89, %dma_start3A_125] : memref<125x80xi32, #tpu.memory_space<vmem>> -> memref<1x80xi32, #tpu.memory_space<vmem>>
      %dma_start3A_127 = tpu.memref_squeeze %dma_start3A_126 : memref<1x80xi32, #tpu.memory_space<vmem>> -> memref<80xi32, #tpu.memory_space<vmem>>
      %dma_start3A_128 = arith.constant 0 : i32
      %dma_start3A_129 = arith.constant 0 : i32
      %dma_start3A_130 = tpu.memref_slice %arg13[%dma_start3A_128, %dma_start3A_129] : memref<10000x80xf32, #tpu.memory_space<vmem_shared>> -> memref<10000x80xf32, #tpu.memory_space<vmem_shared>>
      tpu.enqueue_indirect_dma source(%dma_start3A_124 : memref<80x80xf32, #tpu.memory_space<vmem>>) target(%dma_start3A_130 : memref<10000x80xf32, #tpu.memory_space<vmem_shared>>) offsets(%dma_start3A_127 : memref<80xi32, #tpu.memory_space<vmem>>) semaphore(%arg18 : memref<!tpu.dma_semaphore, #tpu.memory_space<semaphore_mem>>) {add = true}
      %add3A_131 = arith.constant 1 : i32
      %add3A_132 = arith.addi %mul3A_89, %add3A_131 : i32
      %lt3A_133 = arith.constant 125 : i32
      %lt3A_134 = arith.cmpi slt, %add3A_132, %lt3A_133 : i32
      %convert_element_type3A_135 = arith.extui %lt3A_134 : i1 to i32
      %cond3A_136 = arith.constant 0 : i32
      %cond3A_137 = arith.cmpi ne, %convert_element_type3A_135, %cond3A_136 : i32
      scf.if %cond3A_137 {
        %add3A_138 = arith.constant 1 : i32
        %add3A_139 = arith.addi %mul3A_89, %add3A_138 : i32
        %dma_wait3A_140 = arith.constant 1 : i32
        %dma_wait3A_141 = arith.constant 0 : i32
        %dma_wait3A_142 = arith.constant 0 : i32
        %dma_wait3A_143 = tpu.memref_slice %arg10[%dma_wait3A_140, %dma_wait3A_141, %dma_wait3A_142] : memref<2x80x80xf32, #tpu.memory_space<vmem>> -> memref<1x80x80xf32, #tpu.memory_space<vmem>>
        %dma_wait3A_144 = tpu.memref_squeeze %dma_wait3A_143 : memref<1x80x80xf32, #tpu.memory_space<vmem>> -> memref<80x80xf32, #tpu.memory_space<vmem>>
        %dma_wait3A_145 = arith.constant 0 : i32
        %dma_wait3A_146 = tpu.memref_slice %arg8[%add3A_139, %dma_wait3A_145] : memref<125x80xi32, #tpu.memory_space<vmem>> -> memref<1x80xi32, #tpu.memory_space<vmem>>
        %dma_wait3A_147 = tpu.memref_squeeze %dma_wait3A_146 : memref<1x80xi32, #tpu.memory_space<vmem>> -> memref<80xi32, #tpu.memory_space<vmem>>
        %dma_wait3A_148 = arith.constant 0 : i32
        %dma_wait3A_149 = arith.constant 0 : i32
        %dma_wait3A_150 = tpu.memref_slice %arg4[%dma_wait3A_148, %dma_wait3A_149] : memref<10000x80xf32, #tpu.memory_space<hbm>> -> memref<10000x80xf32, #tpu.memory_space<hbm>>
        tpu.wait_indirect_dma semaphore(%arg15 : memref<!tpu.dma_semaphore, #tpu.memory_space<semaphore_mem>>) src(%dma_wait3A_150 : memref<10000x80xf32, #tpu.memory_space<hbm>>) dst(%dma_wait3A_144 : memref<80x80xf32, #tpu.memory_space<vmem>>)
        %dma_wait3A_151 = arith.constant 1 : i32
        %dma_wait3A_152 = arith.constant 0 : i32
        %dma_wait3A_153 = arith.constant 0 : i32
        %dma_wait3A_154 = tpu.memref_slice %arg11[%dma_wait3A_151, %dma_wait3A_152, %dma_wait3A_153] : memref<2x80x16xf32, #tpu.memory_space<vmem>> -> memref<1x80x16xf32, #tpu.memory_space<vmem>>
        %dma_wait3A_155 = tpu.memref_squeeze %dma_wait3A_154 : memref<1x80x16xf32, #tpu.memory_space<vmem>> -> memref<80x16xf32, #tpu.memory_space<vmem>>
        %dma_wait3A_156 = arith.constant 0 : i32
        %dma_wait3A_157 = tpu.memref_slice %arg9[%add3A_139, %dma_wait3A_156] : memref<125x80xi32, #tpu.memory_space<vmem>> -> memref<1x80xi32, #tpu.memory_space<vmem>>
        %dma_wait3A_158 = tpu.memref_squeeze %dma_wait3A_157 : memref<1x80xi32, #tpu.memory_space<vmem>> -> memref<80xi32, #tpu.memory_space<vmem>>
        %dma_wait3A_159 = arith.constant 0 : i32
        %dma_wait3A_160 = arith.constant 0 : i32
        %dma_wait3A_161 = tpu.memref_slice %arg5[%dma_wait3A_159, %dma_wait3A_160] : memref<10000x16xf32, #tpu.memory_space<hbm>> -> memref<10000x16xf32, #tpu.memory_space<hbm>>
        tpu.wait_indirect_dma semaphore(%arg17 : memref<!tpu.dma_semaphore, #tpu.memory_space<semaphore_mem>>) src(%dma_wait3A_161 : memref<10000x16xf32, #tpu.memory_space<hbm>>) dst(%dma_wait3A_155 : memref<80x16xf32, #tpu.memory_space<vmem>>)
        %add3A_162 = arith.constant 1 : i32
        %add3A_163 = arith.addi %add3A_139, %add3A_162 : i32
        %lt3A_164 = arith.constant 125 : i32
        %lt3A_165 = arith.cmpi slt, %add3A_163, %lt3A_164 : i32
        %convert_element_type3A_166 = arith.extui %lt3A_165 : i1 to i32
        %cond3A_167 = arith.constant 0 : i32
        %cond3A_168 = arith.cmpi ne, %convert_element_type3A_166, %cond3A_167 : i32
        scf.if %cond3A_168 {
          %add3A_185 = arith.constant 1 : i32
          %add3A_186 = arith.addi %add3A_139, %add3A_185 : i32
          %dma_start3A_187 = arith.constant 0 : i32
          %dma_start3A_188 = arith.constant 0 : i32
          %dma_start3A_189 = arith.constant 0 : i32
          %dma_start3A_190 = tpu.memref_slice %arg10[%dma_start3A_187, %dma_start3A_188, %dma_start3A_189] : memref<2x80x80xf32, #tpu.memory_space<vmem>> -> memref<1x80x80xf32, #tpu.memory_space<vmem>>
          %dma_start3A_191 = tpu.memref_squeeze %dma_start3A_190 : memref<1x80x80xf32, #tpu.memory_space<vmem>> -> memref<80x80xf32, #tpu.memory_space<vmem>>
          %dma_start3A_192 = arith.constant 0 : i32
          %dma_start3A_193 = tpu.memref_slice %arg8[%add3A_186, %dma_start3A_192] : memref<125x80xi32, #tpu.memory_space<vmem>> -> memref<1x80xi32, #tpu.memory_space<vmem>>
          %dma_start3A_194 = tpu.memref_squeeze %dma_start3A_193 : memref<1x80xi32, #tpu.memory_space<vmem>> -> memref<80xi32, #tpu.memory_space<vmem>>
          %dma_start3A_195 = arith.constant 0 : i32
          %dma_start3A_196 = arith.constant 0 : i32
          %dma_start3A_197 = tpu.memref_slice %arg4[%dma_start3A_195, %dma_start3A_196] : memref<10000x80xf32, #tpu.memory_space<hbm>> -> memref<10000x80xf32, #tpu.memory_space<hbm>>
          tpu.enqueue_indirect_dma source(%dma_start3A_197 : memref<10000x80xf32, #tpu.memory_space<hbm>>) target(%dma_start3A_191 : memref<80x80xf32, #tpu.memory_space<vmem>>) offsets(%dma_start3A_194 : memref<80xi32, #tpu.memory_space<vmem>>) semaphore(%arg14 : memref<!tpu.dma_semaphore, #tpu.memory_space<semaphore_mem>>)
          %dma_start3A_198 = arith.constant 0 : i32
          %dma_start3A_199 = arith.constant 0 : i32
          %dma_start3A_200 = arith.constant 0 : i32
          %dma_start3A_201 = tpu.memref_slice %arg11[%dma_start3A_198, %dma_start3A_199, %dma_start3A_200] : memref<2x80x16xf32, #tpu.memory_space<vmem>> -> memref<1x80x16xf32, #tpu.memory_space<vmem>>
          %dma_start3A_202 = tpu.memref_squeeze %dma_start3A_201 : memref<1x80x16xf32, #tpu.memory_space<vmem>> -> memref<80x16xf32, #tpu.memory_space<vmem>>
          %dma_start3A_203 = arith.constant 0 : i32
          %dma_start3A_204 = tpu.memref_slice %arg9[%add3A_186, %dma_start3A_203] : memref<125x80xi32, #tpu.memory_space<vmem>> -> memref<1x80xi32, #tpu.memory_space<vmem>>
          %dma_start3A_205 = tpu.memref_squeeze %dma_start3A_204 : memref<1x80xi32, #tpu.memory_space<vmem>> -> memref<80xi32, #tpu.memory_space<vmem>>
          %dma_start3A_206 = arith.constant 0 : i32
          %dma_start3A_207 = arith.constant 0 : i32
          %dma_start3A_208 = tpu.memref_slice %arg5[%dma_start3A_206, %dma_start3A_207] : memref<10000x16xf32, #tpu.memory_space<hbm>> -> memref<10000x16xf32, #tpu.memory_space<hbm>>
          tpu.enqueue_indirect_dma source(%dma_start3A_208 : memref<10000x16xf32, #tpu.memory_space<hbm>>) target(%dma_start3A_202 : memref<80x16xf32, #tpu.memory_space<vmem>>) offsets(%dma_start3A_205 : memref<80xi32, #tpu.memory_space<vmem>>) semaphore(%arg16 : memref<!tpu.dma_semaphore, #tpu.memory_space<semaphore_mem>>)
        } else {
        }
        %ge3A_169 = arith.constant 2 : i32
        %ge3A_170 = arith.cmpi sge, %add3A_139, %ge3A_169 : i32
        %convert_element_type3A_171 = arith.extui %ge3A_170 : i1 to i32
        %cond3A_172 = arith.constant 0 : i32
        %cond3A_173 = arith.cmpi ne, %convert_element_type3A_171, %cond3A_172 : i32
        scf.if %cond3A_173 {
          %sub3A = arith.constant 2 : i32
          %sub3A_185 = arith.subi %add3A_139, %sub3A : i32
          %dma_wait3A_186 = arith.constant 1 : i32
          %dma_wait3A_187 = arith.constant 0 : i32
          %dma_wait3A_188 = arith.constant 0 : i32
          %dma_wait3A_189 = tpu.memref_slice %arg12[%dma_wait3A_186, %dma_wait3A_187, %dma_wait3A_188] : memref<2x80x80xf32, #tpu.memory_space<vmem>> -> memref<1x80x80xf32, #tpu.memory_space<vmem>>
          %dma_wait3A_190 = tpu.memref_squeeze %dma_wait3A_189 : memref<1x80x80xf32, #tpu.memory_space<vmem>> -> memref<80x80xf32, #tpu.memory_space<vmem>>
          %dma_wait3A_191 = arith.constant 0 : i32
          %dma_wait3A_192 = tpu.memref_slice %arg9[%sub3A_185, %dma_wait3A_191] : memref<125x80xi32, #tpu.memory_space<vmem>> -> memref<1x80xi32, #tpu.memory_space<vmem>>
          %dma_wait3A_193 = tpu.memref_squeeze %dma_wait3A_192 : memref<1x80xi32, #tpu.memory_space<vmem>> -> memref<80xi32, #tpu.memory_space<vmem>>
          %dma_wait3A_194 = arith.constant 0 : i32
          %dma_wait3A_195 = arith.constant 0 : i32
          %dma_wait3A_196 = tpu.memref_slice %arg13[%dma_wait3A_194, %dma_wait3A_195] : memref<10000x80xf32, #tpu.memory_space<vmem_shared>> -> memref<10000x80xf32, #tpu.memory_space<vmem_shared>>
          tpu.wait_indirect_dma semaphore(%arg19 : memref<!tpu.dma_semaphore, #tpu.memory_space<semaphore_mem>>) src(%dma_wait3A_190 : memref<80x80xf32, #tpu.memory_space<vmem>>) dst(%dma_wait3A_196 : memref<10000x80xf32, #tpu.memory_space<vmem_shared>>)
        } else {
        }
        %dma_start3A_174 = arith.constant 1 : i32
        %dma_start3A_175 = arith.constant 0 : i32
        %dma_start3A_176 = arith.constant 0 : i32
        %dma_start3A_177 = tpu.memref_slice %arg12[%dma_start3A_174, %dma_start3A_175, %dma_start3A_176] : memref<2x80x80xf32, #tpu.memory_space<vmem>> -> memref<1x80x80xf32, #tpu.memory_space<vmem>>
        %dma_start3A_178 = tpu.memref_squeeze %dma_start3A_177 : memref<1x80x80xf32, #tpu.memory_space<vmem>> -> memref<80x80xf32, #tpu.memory_space<vmem>>
        %dma_start3A_179 = arith.constant 0 : i32
        %dma_start3A_180 = tpu.memref_slice %arg9[%add3A_139, %dma_start3A_179] : memref<125x80xi32, #tpu.memory_space<vmem>> -> memref<1x80xi32, #tpu.memory_space<vmem>>
        %dma_start3A_181 = tpu.memref_squeeze %dma_start3A_180 : memref<1x80xi32, #tpu.memory_space<vmem>> -> memref<80xi32, #tpu.memory_space<vmem>>
        %dma_start3A_182 = arith.constant 0 : i32
        %dma_start3A_183 = arith.constant 0 : i32
        %dma_start3A_184 = tpu.memref_slice %arg13[%dma_start3A_182, %dma_start3A_183] : memref<10000x80xf32, #tpu.memory_space<vmem_shared>> -> memref<10000x80xf32, #tpu.memory_space<vmem_shared>>
        tpu.enqueue_indirect_dma source(%dma_start3A_178 : memref<80x80xf32, #tpu.memory_space<vmem>>) target(%dma_start3A_184 : memref<10000x80xf32, #tpu.memory_space<vmem_shared>>) offsets(%dma_start3A_181 : memref<80xi32, #tpu.memory_space<vmem>>) semaphore(%arg19 : memref<!tpu.dma_semaphore, #tpu.memory_space<semaphore_mem>>) {add = true}
      } else {
      }
    }
    %scan3A_58 = arith.constant 63 : i32
    %dma_wait3A = arith.constant 0 : i32
    %dma_wait3A_59 = arith.constant 124 : i32
    %dma_wait3A_60 = arith.constant 0 : i32
    %dma_wait3A_61 = arith.constant 0 : i32
    %dma_wait3A_62 = tpu.memref_slice %arg12[%dma_wait3A, %dma_wait3A_60, %dma_wait3A_61] : memref<2x80x80xf32, #tpu.memory_space<vmem>> -> memref<1x80x80xf32, #tpu.memory_space<vmem>>
    %dma_wait3A_63 = tpu.memref_squeeze %dma_wait3A_62 : memref<1x80x80xf32, #tpu.memory_space<vmem>> -> memref<80x80xf32, #tpu.memory_space<vmem>>
    %dma_wait3A_64 = arith.constant 0 : i32
    %dma_wait3A_65 = tpu.memref_slice %arg9[%dma_wait3A_59, %dma_wait3A_64] : memref<125x80xi32, #tpu.memory_space<vmem>> -> memref<1x80xi32, #tpu.memory_space<vmem>>
    %dma_wait3A_66 = tpu.memref_squeeze %dma_wait3A_65 : memref<1x80xi32, #tpu.memory_space<vmem>> -> memref<80xi32, #tpu.memory_space<vmem>>
    %dma_wait3A_67 = arith.constant 0 : i32
    %dma_wait3A_68 = arith.constant 0 : i32
    %dma_wait3A_69 = tpu.memref_slice %arg13[%dma_wait3A_67, %dma_wait3A_68] : memref<10000x80xf32, #tpu.memory_space<vmem_shared>> -> memref<10000x80xf32, #tpu.memory_space<vmem_shared>>
    tpu.wait_indirect_dma semaphore(%arg18 : memref<!tpu.dma_semaphore, #tpu.memory_space<semaphore_mem>>) src(%dma_wait3A_63 : memref<80x80xf32, #tpu.memory_space<vmem>>) dst(%dma_wait3A_69 : memref<10000x80xf32, #tpu.memory_space<vmem_shared>>)
    %dma_wait3A_70 = arith.constant 1 : i32
    %dma_wait3A_71 = arith.constant 123 : i32
    %dma_wait3A_72 = arith.constant 0 : i32
    %dma_wait3A_73 = arith.constant 0 : i32
    %dma_wait3A_74 = tpu.memref_slice %arg12[%dma_wait3A_70, %dma_wait3A_72, %dma_wait3A_73] : memref<2x80x80xf32, #tpu.memory_space<vmem>> -> memref<1x80x80xf32, #tpu.memory_space<vmem>>
    %dma_wait3A_75 = tpu.memref_squeeze %dma_wait3A_74 : memref<1x80x80xf32, #tpu.memory_space<vmem>> -> memref<80x80xf32, #tpu.memory_space<vmem>>
    %dma_wait3A_76 = arith.constant 0 : i32
    %dma_wait3A_77 = tpu.memref_slice %arg9[%dma_wait3A_71, %dma_wait3A_76] : memref<125x80xi32, #tpu.memory_space<vmem>> -> memref<1x80xi32, #tpu.memory_space<vmem>>
    %dma_wait3A_78 = tpu.memref_squeeze %dma_wait3A_77 : memref<1x80xi32, #tpu.memory_space<vmem>> -> memref<80xi32, #tpu.memory_space<vmem>>
    %dma_wait3A_79 = arith.constant 0 : i32
    %dma_wait3A_80 = arith.constant 0 : i32
    %dma_wait3A_81 = tpu.memref_slice %arg13[%dma_wait3A_79, %dma_wait3A_80] : memref<10000x80xf32, #tpu.memory_space<vmem_shared>> -> memref<10000x80xf32, #tpu.memory_space<vmem_shared>>
    tpu.wait_indirect_dma semaphore(%arg19 : memref<!tpu.dma_semaphore, #tpu.memory_space<semaphore_mem>>) src(%dma_wait3A_75 : memref<80x80xf32, #tpu.memory_space<vmem>>) dst(%dma_wait3A_81 : memref<10000x80xf32, #tpu.memory_space<vmem_shared>>)
    %barrier3A_82 = arith.constant 0 : index
    tpu.barrier barrier_id(%barrier3A_82)
    %mul3A_83 = arith.constant 625 : i32
    %mul3A_84 = arith.muli %arg1, %mul3A_83 : i32
    %mul3A_85 = arith.constant 625 : i32
    %mul3A_86 = arith.muli %arg1, %mul3A_85 : i32
    "tpu.region"() ({
      %run_scoped3A = tpu.sem_alloc : memref<!tpu.dma_semaphore, #tpu.memory_space<semaphore_mem>>
      %dma_start3A_87 = arith.constant 0 : i32
      %dma_start3A_88 = arith.constant 0 : i32
      %dma_start3A_89 = tpu.memref_slice %arg7[%arg0, %dma_start3A_87, %dma_start3A_88] : memref<2x10000x80xf32, #tpu.memory_space<hbm>> -> memref<1x10000x80xf32, #tpu.memory_space<hbm>>
      %dma_start3A_90 = tpu.memref_squeeze %dma_start3A_89 : memref<1x10000x80xf32, #tpu.memory_space<hbm>> -> memref<10000x80xf32, #tpu.memory_space<hbm>>
      %dma_start3A_91 = arith.constant 0 : i32
      %dma_start3A_92 = tpu.memref_slice %dma_start3A_90[%mul3A_86, %dma_start3A_91] : memref<10000x80xf32, #tpu.memory_space<hbm>> -> memref<625x80xf32, #tpu.memory_space<hbm>>
      %dma_start3A_93 = arith.constant 0 : i32
      %dma_start3A_94 = tpu.memref_slice %arg13[%mul3A_84, %dma_start3A_93] : memref<10000x80xf32, #tpu.memory_space<vmem_shared>> -> memref<625x80xf32, #tpu.memory_space<vmem_shared>>
      tpu.enqueue_dma source(%dma_start3A_94 : memref<625x80xf32, #tpu.memory_space<vmem_shared>>) target(%dma_start3A_92 : memref<625x80xf32, #tpu.memory_space<hbm>>) target_semaphore(%run_scoped3A : memref<!tpu.dma_semaphore, #tpu.memory_space<semaphore_mem>>)
      %dma_wait3A_95 = arith.constant 0 : i32
      %dma_wait3A_96 = arith.constant 0 : i32
      %dma_wait3A_97 = tpu.memref_slice %arg7[%arg0, %dma_wait3A_95, %dma_wait3A_96] : memref<2x10000x80xf32, #tpu.memory_space<hbm>> -> memref<1x10000x80xf32, #tpu.memory_space<hbm>>
      %dma_wait3A_98 = tpu.memref_squeeze %dma_wait3A_97 : memref<1x10000x80xf32, #tpu.memory_space<hbm>> -> memref<10000x80xf32, #tpu.memory_space<hbm>>
      %dma_wait3A_99 = arith.constant 0 : i32
      %dma_wait3A_100 = tpu.memref_slice %dma_wait3A_98[%mul3A_86, %dma_wait3A_99] : memref<10000x80xf32, #tpu.memory_space<hbm>> -> memref<625x80xf32, #tpu.memory_space<hbm>>
      %dma_wait3A_101 = arith.constant 0 : i32
      %dma_wait3A_102 = tpu.memref_slice %arg13[%mul3A_84, %dma_wait3A_101] : memref<10000x80xf32, #tpu.memory_space<vmem_shared>> -> memref<625x80xf32, #tpu.memory_space<vmem_shared>>
      tpu.wait_dma2 semaphore(%run_scoped3A : memref<!tpu.dma_semaphore, #tpu.memory_space<semaphore_mem>>) src(%dma_wait3A_102 : memref<625x80xf32, #tpu.memory_space<vmem_shared>>) dst(%dma_wait3A_100 : memref<625x80xf32, #tpu.memory_space<hbm>>)
      tpu.yield
    }) : () -> ()
    return
  }
}

module attributes {stable_mosaic.version = 14 : i64} {
  func.func @_prep1_body(%arg0: i32, %arg1: memref<2000x128xf32, #tpu.memory_space<vmem>>, %arg2: memref<128x64xf32, #tpu.memory_space<vmem>>, %arg3: memref<64x8xf32, #tpu.memory_space<vmem>>, %arg4: memref<64x8xf32, #tpu.memory_space<vmem>>, %arg5: memref<8x64xf32, #tpu.memory_space<vmem>>, %arg6: memref<2000x80xf32, #tpu.memory_space<vmem>>, %arg7: memref<2000x16xf32, #tpu.memory_space<vmem>>, %arg8: memref<2000x80xf32, #tpu.memory_space<vmem>>) attributes {dimension_semantics = [#tpu.dimension_semantics<arbitrary>], iteration_bounds = array<i64: 5>, scalar_prefetch = 0 : i64, scratch_operands = 0 : i64, tpu.core_type = #tpu.core_type<tc>, window_params = [{transform_indices = @transform_0, window_bounds = array<i64: 2000, 128>}, {pipeline_mode = #tpu.pipeline_mode<synchronous>, transform_indices = @transform_1, window_bounds = array<i64: 128, 64>}, {pipeline_mode = #tpu.pipeline_mode<synchronous>, transform_indices = @transform_2, window_bounds = array<i64: 64, 8>}, {pipeline_mode = #tpu.pipeline_mode<synchronous>, transform_indices = @transform_3, window_bounds = array<i64: 64, 8>}, {pipeline_mode = #tpu.pipeline_mode<synchronous>, transform_indices = @transform_4, window_bounds = array<i64: 8, 64>}, {transform_indices = @transform_5, window_bounds = array<i64: 2000, 80>}, {transform_indices = @transform_6, window_bounds = array<i64: 2000, 16>}, {transform_indices = @transform_7, window_bounds = array<i64: 2000, 80>}]} {
    %get3A = arith.constant 0 : index
    %get3A_0 = arith.constant 0 : index
    %get3A_1 = vector.load %arg1[%get3A, %get3A_0] : memref<2000x128xf32, #tpu.memory_space<vmem>>, vector<2000x128xf32>
    %get3A_2 = arith.constant 0 : index
    %get3A_3 = arith.constant 0 : index
    %get3A_4 = vector.load %arg2[%get3A_2, %get3A_3] : memref<128x64xf32, #tpu.memory_space<vmem>>, vector<128x64xf32>
    %dot_general3A = arith.constant dense<0.000000e+00> : vector<2000x64xf32>
    %dot_general3A_5 = tpu.matmul %get3A_1, %get3A_4, %dot_general3A {dimension_numbers = #tpu.dot_dimension_numbers<[1], [0], [0], [1], [0, 0, 1, 1], [], []>, precision = #tpu.contract_precision<fp32>, transpose_lhs_hint = false} : vector<2000x128xf32>, vector<128x64xf32>, vector<2000x64xf32> -> vector<2000x64xf32>
    %get3A_6 = arith.constant 0 : index
    %get3A_7 = arith.constant 0 : index
    %get3A_8 = vector.load %arg3[%get3A_6, %get3A_7] : memref<64x8xf32, #tpu.memory_space<vmem>>, vector<64x8xf32>
    %dot_general3A_9 = arith.constant dense<0.000000e+00> : vector<2000x8xf32>
    %dot_general3A_10 = tpu.matmul %dot_general3A_5, %get3A_8, %dot_general3A_9 {dimension_numbers = #tpu.dot_dimension_numbers<[1], [0], [0], [1], [0, 0, 1, 1], [], []>, precision = #tpu.contract_precision<fp32>, transpose_lhs_hint = false} : vector<2000x64xf32>, vector<64x8xf32>, vector<2000x8xf32> -> vector<2000x8xf32>
    %get3A_11 = arith.constant 0 : index
    %get3A_12 = arith.constant 0 : index
    %get3A_13 = vector.load %arg4[%get3A_11, %get3A_12] : memref<64x8xf32, #tpu.memory_space<vmem>>, vector<64x8xf32>
    %dot_general3A_14 = arith.constant dense<0.000000e+00> : vector<2000x8xf32>
    %dot_general3A_15 = tpu.matmul %dot_general3A_5, %get3A_13, %dot_general3A_14 {dimension_numbers = #tpu.dot_dimension_numbers<[1], [0], [0], [1], [0, 0, 1, 1], [], []>, precision = #tpu.contract_precision<fp32>, transpose_lhs_hint = false} : vector<2000x64xf32>, vector<64x8xf32>, vector<2000x8xf32> -> vector<2000x8xf32>
    %add3A = arith.addf %dot_general3A_10, %dot_general3A_15 : vector<2000x8xf32>
    %gt3A = arith.constant 0.000000e+00 : f32
    %gt3A_16 = vector.broadcast %gt3A : f32 to vector<2000x8xf32>
    %gt3A_17 = arith.cmpf ogt, %add3A, %gt3A_16 : vector<2000x8xf32>
    %mul3A = arith.constant 2.000000e-01 : f32
    %mul3A_18 = vector.broadcast %mul3A : f32 to vector<2000x8xf32>
    %mul3A_19 = arith.mulf %mul3A_18, %add3A : vector<2000x8xf32>
    %select_n3A = arith.select %gt3A_17, %add3A, %mul3A_19 : vector<2000x8xi1>, vector<2000x8xf32>
    %exp3A = math.exp %select_n3A : vector<2000x8xf32>
    %get3A_20 = arith.constant 0 : index
    %get3A_21 = arith.constant 0 : index
    %get3A_22 = vector.load %arg5[%get3A_20, %get3A_21] : memref<8x64xf32, #tpu.memory_space<vmem>>, vector<8x64xf32>
    %dot_general3A_23 = arith.constant dense<0.000000e+00> : vector<2000x64xf32>
    %dot_general3A_24 = tpu.matmul %exp3A, %get3A_22, %dot_general3A_23 {dimension_numbers = #tpu.dot_dimension_numbers<[1], [0], [0], [1], [0, 0, 1, 1], [], []>, precision = #tpu.contract_precision<fp32>, transpose_lhs_hint = false} : vector<2000x8xf32>, vector<8x64xf32>, vector<2000x64xf32> -> vector<2000x64xf32>
    %broadcast_in_dim3A = arith.constant 0.000000e+00 : f32
    %broadcast_in_dim3A_25 = vector.broadcast %broadcast_in_dim3A : f32 to vector<2000x8xf32>
    %concatenate3A = tpu.concatenate %dot_general3A_5, %dot_general3A_10, %broadcast_in_dim3A_25 in 1 : vector<2000x64xf32>, vector<2000x8xf32>, vector<2000x8xf32> -> vector<2000x80xf32>
    %swap3A = arith.constant 0 : index
    %swap3A_26 = arith.constant 0 : index
    %swap3A_27 = vector.load %arg6[%swap3A, %swap3A_26] : memref<2000x80xf32, #tpu.memory_space<vmem>>, vector<2000x80xf32>
    tpu.vector_store %arg6[%swap3A, %swap3A_26], %concatenate3A {strides = array<i32>} : memref<2000x80xf32, #tpu.memory_space<vmem>>, vector<2000x80xf32>,
    %concatenate3A_28 = tpu.concatenate %dot_general3A_15, %broadcast_in_dim3A_25 in 1 : vector<2000x8xf32>, vector<2000x8xf32> -> vector<2000x16xf32>
    %swap3A_29 = arith.constant 0 : index
    %swap3A_30 = arith.constant 0 : index
    %swap3A_31 = vector.load %arg7[%swap3A_29, %swap3A_30] : memref<2000x16xf32, #tpu.memory_space<vmem>>, vector<2000x16xf32>
    tpu.vector_store %arg7[%swap3A_29, %swap3A_30], %concatenate3A_28 {strides = array<i32>} : memref<2000x16xf32, #tpu.memory_space<vmem>>, vector<2000x16xf32>,
    %mul3A_32 = arith.mulf %dot_general3A_24, %dot_general3A_5 : vector<2000x64xf32>
    %concatenate3A_33 = tpu.concatenate %mul3A_32, %exp3A, %broadcast_in_dim3A_25 in 1 : vector<2000x64xf32>, vector<2000x8xf32>, vector<2000x8xf32> -> vector<2000x80xf32>
    %mul3A_34 = arith.constant 5.000000e-01 : f32
    %mul3A_35 = vector.broadcast %mul3A_34 : f32 to vector<2000x80xf32>
    %mul3A_36 = arith.mulf %mul3A_35, %concatenate3A_33 : vector<2000x80xf32>
    %swap3A_37 = arith.constant 0 : index
    %swap3A_38 = arith.constant 0 : index
    %swap3A_39 = vector.load %arg8[%swap3A_37, %swap3A_38] : memref<2000x80xf32, #tpu.memory_space<vmem>>, vector<2000x80xf32>
    tpu.vector_store %arg8[%swap3A_37, %swap3A_38], %mul3A_36 {strides = array<i32>} : memref<2000x80xf32, #tpu.memory_space<vmem>>, vector<2000x80xf32>,
    return
  }
  func.func @transform_0(%arg0: i32) -> (i32, i32) {
    %c0_i32 = arith.constant 0 : i32
    %c0_i32_0 = arith.constant 0 : i32
    return %arg0, %c0_i32 : i32, i32
  }
  func.func @transform_1(%arg0: i32) -> (i32, i32) {
    %c0_i32 = arith.constant 0 : i32
    %c0_i32_0 = arith.constant 0 : i32
    %c0_i32_1 = arith.constant 0 : i32
    return %c0_i32, %c0_i32_0 : i32, i32
  }
  func.func @transform_2(%arg0: i32) -> (i32, i32) {
    %c0_i32 = arith.constant 0 : i32
    %c0_i32_0 = arith.constant 0 : i32
    %c0_i32_1 = arith.constant 0 : i32
    return %c0_i32, %c0_i32_0 : i32, i32
  }
  func.func @transform_3(%arg0: i32) -> (i32, i32) {
    %c0_i32 = arith.constant 0 : i32
    %c0_i32_0 = arith.constant 0 : i32
    %c0_i32_1 = arith.constant 0 : i32
    return %c0_i32, %c0_i32_0 : i32, i32
  }
  func.func @transform_4(%arg0: i32) -> (i32, i32) {
    %c0_i32 = arith.constant 0 : i32
    %c0_i32_0 = arith.constant 0 : i32
    %c0_i32_1 = arith.constant 0 : i32
    return %c0_i32, %c0_i32_0 : i32, i32
  }
  func.func @transform_5(%arg0: i32) -> (i32, i32) {
    %c0_i32 = arith.constant 0 : i32
    %c0_i32_0 = arith.constant 0 : i32
    return %arg0, %c0_i32 : i32, i32
  }
  func.func @transform_6(%arg0: i32) -> (i32, i32) {
    %c0_i32 = arith.constant 0 : i32
    %c0_i32_0 = arith.constant 0 : i32
    return %arg0, %c0_i32 : i32, i32
  }
  func.func @transform_7(%arg0: i32) -> (i32, i32) {
    %c0_i32 = arith.constant 0 : i32
    %c0_i32_0 = arith.constant 0 : i32
    return %arg0, %c0_i32 : i32, i32
  }
}

module attributes {stable_mosaic.version = 14 : i64} {
  func.func @_mid_body(%arg0: i32, %arg1: memref<2000x80xf32, #tpu.memory_space<vmem>>, %arg2: memref<2000x80xf32, #tpu.memory_space<vmem>>, %arg3: memref<1x64xf32, #tpu.memory_space<vmem>>, %arg4: memref<64x64xf32, #tpu.memory_space<vmem>>, %arg5: memref<1x64xf32, #tpu.memory_space<vmem>>, %arg6: memref<1x64xf32, #tpu.memory_space<vmem>>, %arg7: memref<8x64xf32, #tpu.memory_space<vmem>>, %arg8: memref<2000x80xf32, #tpu.memory_space<vmem>>, %arg9: memref<2000x16xf32, #tpu.memory_space<vmem>>, %arg10: memref<2000x80xf32, #tpu.memory_space<vmem>>) attributes {dimension_semantics = [#tpu.dimension_semantics<arbitrary>], iteration_bounds = array<i64: 5>, scalar_prefetch = 0 : i64, scratch_operands = 0 : i64, tpu.core_type = #tpu.core_type<tc>, window_params = [{transform_indices = @transform_0, window_bounds = array<i64: 2000, 80>}, {transform_indices = @transform_1, window_bounds = array<i64: 2000, 80>}, {pipeline_mode = #tpu.pipeline_mode<synchronous>, transform_indices = @transform_2, window_bounds = array<i64: 1, 64>}, {pipeline_mode = #tpu.pipeline_mode<synchronous>, transform_indices = @transform_3, window_bounds = array<i64: 64, 64>}, {pipeline_mode = #tpu.pipeline_mode<synchronous>, transform_indices = @transform_4, window_bounds = array<i64: 1, 64>}, {pipeline_mode = #tpu.pipeline_mode<synchronous>, transform_indices = @transform_5, window_bounds = array<i64: 1, 64>}, {pipeline_mode = #tpu.pipeline_mode<synchronous>, transform_indices = @transform_6, window_bounds = array<i64: 8, 64>}, {transform_indices = @transform_7, window_bounds = array<i64: 2000, 80>}, {transform_indices = @transform_8, window_bounds = array<i64: 2000, 16>}, {transform_indices = @transform_9, window_bounds = array<i64: 2000, 80>}]} {
    %get3A = arith.constant 0 : index
    %get3A_0 = arith.constant 0 : index
    %get3A_1 = vector.load %arg1[%get3A, %get3A_0] : memref<2000x80xf32, #tpu.memory_space<vmem>>, vector<2000x80xf32>
    %get3A_2 = arith.constant 0 : index
    %get3A_3 = arith.constant 0 : index
    %get3A_4 = vector.load %arg2[%get3A_2, %get3A_3] : memref<2000x80xf32, #tpu.memory_space<vmem>>, vector<2000x80xf32>
    %add3A = arith.addf %get3A_1, %get3A_4 : vector<2000x80xf32>
    %slice3A = vector.extract_strided_slice %add3A {offsets = [0, 64], sizes = [2000, 8], strides = [1, 1]} : vector<2000x80xf32> to vector<2000x8xf32>
    %get3A_5 = arith.constant 0 : index
    %get3A_6 = arith.constant 0 : index
    %get3A_7 = vector.load %arg7[%get3A_5, %get3A_6] : memref<8x64xf32, #tpu.memory_space<vmem>>, vector<8x64xf32>
    %dot_general3A = arith.constant dense<0.000000e+00> : vector<2000x64xf32>
    %dot_general3A_8 = tpu.matmul %slice3A, %get3A_7, %dot_general3A {dimension_numbers = #tpu.dot_dimension_numbers<[1], [0], [0], [1], [0, 0, 1, 1], [], []>, precision = #tpu.contract_precision<fp32>, transpose_lhs_hint = false} : vector<2000x8xf32>, vector<8x64xf32>, vector<2000x64xf32> -> vector<2000x64xf32>
    %slice3A_9 = vector.extract_strided_slice %add3A {offsets = [0, 0], sizes = [2000, 64], strides = [1, 1]} : vector<2000x80xf32> to vector<2000x64xf32>
    %add3A_10 = arith.constant 1.000000e-16 : f32
    %add3A_11 = vector.broadcast %add3A_10 : f32 to vector<2000x64xf32>
    %add3A_12 = arith.addf %dot_general3A_8, %add3A_11 : vector<2000x64xf32>
    %div3A = arith.divf %slice3A_9, %add3A_12 : vector<2000x64xf32>
    %get3A_13 = arith.constant 0 : index
    %get3A_14 = arith.constant 0 : index
    %get3A_15 = vector.load %arg3[%get3A_13, %get3A_14] : memref<1x64xf32, #tpu.memory_space<vmem>>, vector<1x64xf32>
    %add3A_16 = vector.broadcast %get3A_15 : vector<1x64xf32> to vector<2000x64xf32>
    %add3A_17 = arith.addf %div3A, %add3A_16 : vector<2000x64xf32>
    %gt3A = arith.constant 0.000000e+00 : f32
    %gt3A_18 = vector.broadcast %gt3A : f32 to vector<2000x64xf32>
    %gt3A_19 = arith.cmpf ogt, %add3A_17, %gt3A_18 : vector<2000x64xf32>
    %min3A = arith.constant 0.000000e+00 : f32
    %min3A_20 = vector.broadcast %min3A : f32 to vector<2000x64xf32>
    %min3A_21 = arith.minimumf %add3A_17, %min3A_20 : vector<2000x64xf32>
    %exp3A = math.exp %min3A_21 : vector<2000x64xf32>
    %sub3A = arith.constant 1.000000e+00 : f32
    %sub3A_22 = vector.broadcast %sub3A : f32 to vector<2000x64xf32>
    %sub3A_23 = arith.subf %exp3A, %sub3A_22 : vector<2000x64xf32>
    %select_n3A = arith.select %gt3A_19, %add3A_17, %sub3A_23 : vector<2000x64xi1>, vector<2000x64xf32>
    %get3A_24 = arith.constant 0 : index
    %get3A_25 = arith.constant 0 : index
    %get3A_26 = vector.load %arg4[%get3A_24, %get3A_25] : memref<64x64xf32, #tpu.memory_space<vmem>>, vector<64x64xf32>
    %dot_general3A_27 = arith.constant dense<0.000000e+00> : vector<2000x64xf32>
    %dot_general3A_28 = tpu.matmul %select_n3A, %get3A_26, %dot_general3A_27 {dimension_numbers = #tpu.dot_dimension_numbers<[1], [0], [0], [1], [0, 0, 1, 1], [], []>, precision = #tpu.contract_precision<fp32>, transpose_lhs_hint = false} : vector<2000x64xf32>, vector<64x64xf32>, vector<2000x64xf32> -> vector<2000x64xf32>
    %get3A_29 = arith.constant 0 : index
    %get3A_30 = arith.constant 0 : index
    %get3A_31 = vector.load %arg5[%get3A_29, %get3A_30] : memref<1x64xf32, #tpu.memory_space<vmem>>, vector<1x64xf32>
    %mul3A = vector.broadcast %get3A_31 : vector<1x64xf32> to vector<2000x64xf32>
    %mul3A_32 = arith.mulf %dot_general3A_28, %mul3A : vector<2000x64xf32>
    %reduce_sum3A = arith.constant dense<0.000000e+00> : vector<2000xf32>
    %reduce_sum3A_33 = vector.multi_reduction <add>, %mul3A_32, %reduce_sum3A [1] : vector<2000x64xf32> to vector<2000xf32>
    %broadcast_in_dim3A = vector.shape_cast %reduce_sum3A_33 : vector<2000xf32> to vector<2000x1xf32>
    %get3A_34 = arith.constant 0 : index
    %get3A_35 = arith.constant 0 : index
    %get3A_36 = vector.load %arg6[%get3A_34, %get3A_35] : memref<1x64xf32, #tpu.memory_space<vmem>>, vector<1x64xf32>
    %mul3A_37 = vector.broadcast %get3A_36 : vector<1x64xf32> to vector<2000x64xf32>
    %mul3A_38 = arith.mulf %dot_general3A_28, %mul3A_37 : vector<2000x64xf32>
    %reduce_sum3A_39 = arith.constant dense<0.000000e+00> : vector<2000xf32>
    %reduce_sum3A_40 = vector.multi_reduction <add>, %mul3A_38, %reduce_sum3A_39 [1] : vector<2000x64xf32> to vector<2000xf32>
    %broadcast_in_dim3A_41 = vector.shape_cast %reduce_sum3A_40 : vector<2000xf32> to vector<2000x1xf32>
    %add3A_42 = arith.addf %broadcast_in_dim3A, %broadcast_in_dim3A_41 : vector<2000x1xf32>
    %gt3A_43 = arith.constant 0.000000e+00 : f32
    %gt3A_44 = vector.broadcast %gt3A_43 : f32 to vector<2000x1xf32>
    %gt3A_45 = arith.cmpf ogt, %add3A_42, %gt3A_44 : vector<2000x1xf32>
    %mul3A_46 = arith.constant 2.000000e-01 : f32
    %mul3A_47 = vector.broadcast %mul3A_46 : f32 to vector<2000x1xf32>
    %mul3A_48 = arith.mulf %mul3A_47, %add3A_42 : vector<2000x1xf32>
    %select_n3A_49 = arith.select %gt3A_45, %add3A_42, %mul3A_48 : vector<2000x1xi1>, vector<2000x1xf32>
    %exp3A_50 = math.exp %select_n3A_49 : vector<2000x1xf32>
    %broadcast_in_dim3A_51 = vector.shape_cast %broadcast_in_dim3A : vector<2000x1xf32> to vector<2000x1xf32>
    %broadcast_in_dim3A_52 = vector.broadcast %broadcast_in_dim3A_51 : vector<2000x1xf32> to vector<2000x16xf32>
    %concatenate3A = tpu.concatenate %dot_general3A_28, %broadcast_in_dim3A_52 in 1 : vector<2000x64xf32>, vector<2000x16xf32> -> vector<2000x80xf32>
    %swap3A = arith.constant 0 : index
    %swap3A_53 = arith.constant 0 : index
    %swap3A_54 = vector.load %arg8[%swap3A, %swap3A_53] : memref<2000x80xf32, #tpu.memory_space<vmem>>, vector<2000x80xf32>
    tpu.vector_store %arg8[%swap3A, %swap3A_53], %concatenate3A {strides = array<i32>} : memref<2000x80xf32, #tpu.memory_space<vmem>>, vector<2000x80xf32>,
    %broadcast_in_dim3A_55 = vector.shape_cast %broadcast_in_dim3A_41 : vector<2000x1xf32> to vector<2000x1xf32>
    %broadcast_in_dim3A_56 = vector.broadcast %broadcast_in_dim3A_55 : vector<2000x1xf32> to vector<2000x16xf32>
    %swap3A_57 = arith.constant 0 : index
    %swap3A_58 = arith.constant 0 : index
    %swap3A_59 = vector.load %arg9[%swap3A_57, %swap3A_58] : memref<2000x16xf32, #tpu.memory_space<vmem>>, vector<2000x16xf32>
    tpu.vector_store %arg9[%swap3A_57, %swap3A_58], %broadcast_in_dim3A_56 {strides = array<i32>} : memref<2000x16xf32, #tpu.memory_space<vmem>>, vector<2000x16xf32>,
    %mul3A_60 = vector.broadcast %exp3A_50 : vector<2000x1xf32> to vector<2000x64xf32>
    %mul3A_61 = arith.mulf %mul3A_60, %dot_general3A_28 : vector<2000x64xf32>
    %broadcast_in_dim3A_62 = vector.shape_cast %exp3A_50 : vector<2000x1xf32> to vector<2000x1xf32>
    %broadcast_in_dim3A_63 = vector.broadcast %broadcast_in_dim3A_62 : vector<2000x1xf32> to vector<2000x16xf32>
    %concatenate3A_64 = tpu.concatenate %mul3A_61, %broadcast_in_dim3A_63 in 1 : vector<2000x64xf32>, vector<2000x16xf32> -> vector<2000x80xf32>
    %mul3A_65 = arith.constant 5.000000e-01 : f32
    %mul3A_66 = vector.broadcast %mul3A_65 : f32 to vector<2000x80xf32>
    %mul3A_67 = arith.mulf %mul3A_66, %concatenate3A_64 : vector<2000x80xf32>
    %swap3A_68 = arith.constant 0 : index
    %swap3A_69 = arith.constant 0 : index
    %swap3A_70 = vector.load %arg10[%swap3A_68, %swap3A_69] : memref<2000x80xf32, #tpu.memory_space<vmem>>, vector<2000x80xf32>
    tpu.vector_store %arg10[%swap3A_68, %swap3A_69], %mul3A_67 {strides = array<i32>} : memref<2000x80xf32, #tpu.memory_space<vmem>>, vector<2000x80xf32>,
    return
  }
  func.func @transform_0(%arg0: i32) -> (i32, i32) {
    %c0_i32 = arith.constant 0 : i32
    %c0_i32_0 = arith.constant 0 : i32
    return %arg0, %c0_i32 : i32, i32
  }
  func.func @transform_1(%arg0: i32) -> (i32, i32) {
    %c0_i32 = arith.constant 0 : i32
    %c0_i32_0 = arith.constant 0 : i32
    return %arg0, %c0_i32 : i32, i32
  }
  func.func @transform_2(%arg0: i32) -> (i32, i32) {
    %c0_i32 = arith.constant 0 : i32
    %c0_i32_0 = arith.constant 0 : i32
    %c0_i32_1 = arith.constant 0 : i32
    return %c0_i32, %c0_i32_0 : i32, i32
  }
  func.func @transform_3(%arg0: i32) -> (i32, i32) {
    %c0_i32 = arith.constant 0 : i32
    %c0_i32_0 = arith.constant 0 : i32
    %c0_i32_1 = arith.constant 0 : i32
    return %c0_i32, %c0_i32_0 : i32, i32
  }
  func.func @transform_4(%arg0: i32) -> (i32, i32) {
    %c0_i32 = arith.constant 0 : i32
    %c0_i32_0 = arith.constant 0 : i32
    %c0_i32_1 = arith.constant 0 : i32
    return %c0_i32, %c0_i32_0 : i32, i32
  }
  func.func @transform_5(%arg0: i32) -> (i32, i32) {
    %c0_i32 = arith.constant 0 : i32
    %c0_i32_0 = arith.constant 0 : i32
    %c0_i32_1 = arith.constant 0 : i32
    return %c0_i32, %c0_i32_0 : i32, i32
  }
  func.func @transform_6(%arg0: i32) -> (i32, i32) {
    %c0_i32 = arith.constant 0 : i32
    %c0_i32_0 = arith.constant 0 : i32
    %c0_i32_1 = arith.constant 0 : i32
    return %c0_i32, %c0_i32_0 : i32, i32
  }
  func.func @transform_7(%arg0: i32) -> (i32, i32) {
    %c0_i32 = arith.constant 0 : i32
    %c0_i32_0 = arith.constant 0 : i32
    return %arg0, %c0_i32 : i32, i32
  }
  func.func @transform_8(%arg0: i32) -> (i32, i32) {
    %c0_i32 = arith.constant 0 : i32
    %c0_i32_0 = arith.constant 0 : i32
    return %arg0, %c0_i32 : i32, i32
  }
  func.func @transform_9(%arg0: i32) -> (i32, i32) {
    %c0_i32 = arith.constant 0 : i32
    %c0_i32_0 = arith.constant 0 : i32
    return %arg0, %c0_i32 : i32, i32
  }
}

module attributes {stable_mosaic.version = 14 : i64} {
  func.func @_final_body(%arg0: i32, %arg1: memref<2000x80xf32, #tpu.memory_space<vmem>>, %arg2: memref<2000x80xf32, #tpu.memory_space<vmem>>, %arg3: memref<1x64xf32, #tpu.memory_space<vmem>>, %arg4: memref<2000x64xf32, #tpu.memory_space<vmem>>) attributes {dimension_semantics = [#tpu.dimension_semantics<arbitrary>], iteration_bounds = array<i64: 5>, scalar_prefetch = 0 : i64, scratch_operands = 0 : i64, tpu.core_type = #tpu.core_type<tc>, window_params = [{transform_indices = @transform_0, window_bounds = array<i64: 2000, 80>}, {transform_indices = @transform_1, window_bounds = array<i64: 2000, 80>}, {pipeline_mode = #tpu.pipeline_mode<synchronous>, transform_indices = @transform_2, window_bounds = array<i64: 1, 64>}, {transform_indices = @transform_3, window_bounds = array<i64: 2000, 64>}]} {
    %get3A = arith.constant 0 : index
    %get3A_0 = arith.constant 0 : index
    %get3A_1 = vector.load %arg1[%get3A, %get3A_0] : memref<2000x80xf32, #tpu.memory_space<vmem>>, vector<2000x80xf32>
    %get3A_2 = arith.constant 0 : index
    %get3A_3 = arith.constant 0 : index
    %get3A_4 = vector.load %arg2[%get3A_2, %get3A_3] : memref<2000x80xf32, #tpu.memory_space<vmem>>, vector<2000x80xf32>
    %add3A = arith.addf %get3A_1, %get3A_4 : vector<2000x80xf32>
    %slice3A = vector.extract_strided_slice %add3A {offsets = [0, 0], sizes = [2000, 64], strides = [1, 1]} : vector<2000x80xf32> to vector<2000x64xf32>
    %slice3A_5 = vector.extract_strided_slice %add3A {offsets = [0, 64], sizes = [2000, 1], strides = [1, 1]} : vector<2000x80xf32> to vector<2000x1xf32>
    %add3A_6 = arith.constant 1.000000e-16 : f32
    %add3A_7 = vector.broadcast %add3A_6 : f32 to vector<2000x1xf32>
    %add3A_8 = arith.addf %slice3A_5, %add3A_7 : vector<2000x1xf32>
    %div3A = vector.broadcast %add3A_8 : vector<2000x1xf32> to vector<2000x64xf32>
    %div3A_9 = arith.divf %slice3A, %div3A : vector<2000x64xf32>
    %get3A_10 = arith.constant 0 : index
    %get3A_11 = arith.constant 0 : index
    %get3A_12 = vector.load %arg3[%get3A_10, %get3A_11] : memref<1x64xf32, #tpu.memory_space<vmem>>, vector<1x64xf32>
    %add3A_13 = vector.broadcast %get3A_12 : vector<1x64xf32> to vector<2000x64xf32>
    %add3A_14 = arith.addf %div3A_9, %add3A_13 : vector<2000x64xf32>
    %reduce_max3A = arith.constant dense<0xFF800000> : vector<2000xf32>
    %reduce_max3A_15 = vector.multi_reduction <maximumf>, %add3A_14, %reduce_max3A [1] : vector<2000x64xf32> to vector<2000xf32>
    %broadcast_in_dim3A = vector.shape_cast %reduce_max3A_15 : vector<2000xf32> to vector<2000x1xf32>
    %sub3A = vector.broadcast %broadcast_in_dim3A : vector<2000x1xf32> to vector<2000x64xf32>
    %sub3A_16 = arith.subf %add3A_14, %sub3A : vector<2000x64xf32>
    %exp3A = math.exp %sub3A_16 : vector<2000x64xf32>
    %reduce_sum3A = arith.constant dense<0.000000e+00> : vector<2000xf32>
    %reduce_sum3A_17 = vector.multi_reduction <add>, %exp3A, %reduce_sum3A [1] : vector<2000x64xf32> to vector<2000xf32>
    %broadcast_in_dim3A_18 = vector.shape_cast %reduce_sum3A_17 : vector<2000xf32> to vector<2000x1xf32>
    %log3A = math.log %broadcast_in_dim3A_18 : vector<2000x1xf32>
    %sub3A_19 = vector.broadcast %log3A : vector<2000x1xf32> to vector<2000x64xf32>
    %sub3A_20 = arith.subf %sub3A_16, %sub3A_19 : vector<2000x64xf32>
    %swap3A = arith.constant 0 : index
    %swap3A_21 = arith.constant 0 : index
    %swap3A_22 = vector.load %arg4[%swap3A, %swap3A_21] : memref<2000x64xf32, #tpu.memory_space<vmem>>, vector<2000x64xf32>
    tpu.vector_store %arg4[%swap3A, %swap3A_21], %sub3A_20 {strides = array<i32>} : memref<2000x64xf32, #tpu.memory_space<vmem>>, vector<2000x64xf32>,
    return
  }
  func.func @transform_0(%arg0: i32) -> (i32, i32) {
    %c0_i32 = arith.constant 0 : i32
    %c0_i32_0 = arith.constant 0 : i32
    return %arg0, %c0_i32 : i32, i32
  }
  func.func @transform_1(%arg0: i32) -> (i32, i32) {
    %c0_i32 = arith.constant 0 : i32
    %c0_i32_0 = arith.constant 0 : i32
    return %arg0, %c0_i32 : i32, i32
  }
  func.func @transform_2(%arg0: i32) -> (i32, i32) {
    %c0_i32 = arith.constant 0 : i32
    %c0_i32_0 = arith.constant 0 : i32
    %c0_i32_1 = arith.constant 0 : i32
    return %c0_i32, %c0_i32_0 : i32, i32
  }
  func.func @transform_3(%arg0: i32) -> (i32, i32) {
    %c0_i32 = arith.constant 0 : i32
    %c0_i32_0 = arith.constant 0 : i32
    return %arg0, %c0_i32 : i32, i32
  }
}

</mosaic_0001>

<sc_bundles>
// kernel: kernel.10.cloned.1.call-start
scs
__scs_entry_jumppad:
0x0: {  	(pc) =	sbr.rel $0x88, $3  }
0x1: {  	(tag) =	ssettag $0x0;
	lr =	simm.s32 $0x1  }
0x2: {  	[smem:$0x3F97] =	sst lr;
	_ =	strace $0xD0000000  }
0x3: {  	_ = 	snop  }
0x4: {  	_ = 	snop  }
0x5: {  	_ = 	snop  }
0x6: {  	_ = 	snop  }
0x7: {  	_ = 	snop  }
__scs_overlays_trampoline_lowered:
0x8: {  	[smem:$0x3FA6] =	sst s0  }
0x9: {  	[smem:$0x3FA7] =	sst s1  }
0xa: {  	[smem:$0x3FA8] =	sst s2  }
0xb: {  	[smem:$0x3FA9] =	sst s3  }
0xc: {  	[smem:$0x3FAA] =	sst s4  }
0xd: {  	[smem:$0x3FAB] =	sst s5  }
0xe: {  	[smem:$0x3FAC] =	sst s6  }
0xf: {  	[smem:$0x3FAD] =	sst s7  }
0x10: {  	[smem:$0x3FAE] =	sst s8  }
0x11: {  	[smem:$0x3FAF] =	sst s9;
	s0 =	simm.s32 @!p0 $0x0  }
0x12: {  	s1 =	sld [smem:$0x3F95];
	s0 =	simm.s32 @p0 $0x1  }
0x13: {  	[smem:$0x3FB0] =	sst s0;
	s0 =	simm.s32 @!p1 $0x0  }
0x14: {  	s2 =	sld [smem:$0x3F94];
	s0 =	simm.s32 @p1 $0x1  }
0x15: {  	[smem:$0x3FB1] =	sst s0;
	s0 =	simm.s32 @!p2 $0x0  }
0x16: {  	s3 =	sld [smem:$0x3FDB];
	s0 =	simm.s32 @p2 $0x1  }
0x17: {  	s4 =	simm.s32 $0x1BF5;
	[smem:$0x3FB3] =	sst s0  }
0x18: {  	s0 =	sld [smem:$0x3F96];
	_ =	swait.ge [sflag:s4], $0x0  }
0x19: {  	s7 =	sld [smem:$0x3F97]  }
0x1a: {  	s8 =	sadd.s32 $0xFFFFE003, lr  }
0x1b: {  	s9 =	sadd.s32 $0xFFFFFEF7, lr;
	s5 =	simm.s32 $0xFFFFFFFF;
	p2 =	slt.u32 s8, $0xFFFFF086  }
0x1c: {  	p1 =	slt.u32 s9, $0xF7A;
	s5 =	simm.s32 @!p2 $0x0  }
0x1d: {  	s5 =	simm.s32 @p1 $0x1;
	p0 =	seq.s32 s7, s2  }
0x1e: {  	s7 =	smul.u32 @!p0 $0xF7A, s2;
	p2 =	seq.s32 @!p0 s5, $0x0  }
0x1f: {  	s9 =	smul.u32 $0xF7A, s1;
	s8 =	simm.s32 @!p0 $0x1BF5;
	p2 =	por !p2, p0  }
0x20: {  	[sflag:s8] =	ssyncset.s32 @!p0 $0xFFFFF086;
	s6 =	sadd.s32 @!p0 s3, s7;
	s7 =	simm.s32 @!p0 $0x108  }
0x21: {  	s3 =	sadd.s32 s3, s9;
	s6 =	sadd.s32 @!p0 $0x88, s6;
	s7 =	simm.s32 @p2 $0x1082  }
0x22: {  	[simem:s7], [sflag:s8] =	dma.local @!p0 [hbm:s6], $0xF7A  }
0x23: {  	s9 =	sor.u32 $0xD0000000, s2;
	s6 =	simm.s32 $0x108;
	_ =	swait.ge @!p0 [sflag:s8], $0x0  }
0x24: {  	s3 =	sadd.s32 $0x88, s3;
	s6 =	simm.s32 @!p1 $0x1082;
	[sflag:s4] =	ssyncset.s32 $0xFFFFF086  }
0x25: {  	[simem:s6], [sflag:s4] =	dma.local [hbm:s3], $0xF7A  }
0x26: {  	[smem:$0x3F97] =	sst s1;
	(tag) =	ssettag s2;
	_ =	strace s9  }
0x27: {  	s1 =	sld [smem:$0x3FA7]  }
0x28: {  	s2 =	sld [smem:$0x3FA8]  }
0x29: {  	s4 =	sld [smem:$0x3FAA]  }
0x2a: {  	p0 =	seq.s32 s5, $0x0;
	s5 =	sld [smem:$0x3FAB]  }
0x2b: {  	s6 =	sld [smem:$0x3FAC]  }
0x2c: {  	s7 =	sld [smem:$0x3FAD]  }
0x2d: {  	s3 =	simm.s32 $0x108;
	s8 =	sld [smem:$0x3FAE]  }
0x2e: {  	s3 =	simm.s32 @!p0 $0x1082;
	s9 =	sld [smem:$0x3FAF]  }
0x2f: {  	lr =	sadd.s32 s0, s3;
	s0 =	sld [smem:$0x3FA6]  }
0x30: {  	s3 =	sld [smem:$0x3FA9]  }
0x31: {  	[smem:$0x3FB2] =	sst s10  }
0x32: {  	s10 =	sld [smem:$0x3FB0];
	_ =	sdelay $0x3  }
0x33: {  	p0 =	seq.s32 s10, $0x1;
	s10 =	sld [smem:$0x3FB2];
	_ =	sdelay $0x3  }
0x34: {  	[smem:$0x3FB2] =	sst s10  }
0x35: {  	s10 =	sld [smem:$0x3FB1];
	_ =	sdelay $0x3  }
0x36: {  	p1 =	seq.s32 s10, $0x1;
	s10 =	sld [smem:$0x3FB2];
	_ =	sdelay $0x3  }
0x37: {  	[smem:$0x3FB2] =	sst s10  }
0x38: {  	s10 =	sld [smem:$0x3FB3]  }
0x39: {  	_ = 	snop;
	(pc) =	sbr.ind lr, $3  }
0x3a: {  	_ = 	snop  }
0x3b: {  	_ = 	snop  }
0x3c: {  	p2 =	seq.s32 s10, $0x1;
	s10 =	sld [smem:$0x3FB2]  }
0x3d: {  	_ =	shalt  }
0x3e: {  	_ =	shalt  }
0x3f: {  	_ =	shalt  }
0x40: {  	_ =	shalt  }
0x41: {  	_ =	shalt  }
0x42: {  	_ =	shalt  }
0x43: {  	_ =	shalt  }
0x44: {  	_ =	shalt  }
0x45: {  	_ =	shalt  }
0x46: {  	_ =	shalt  }
0x47: {  	_ =	shalt  }
0x48: {  	_ =	shalt  }
0x49: {  	_ =	shalt  }
0x4a: {  	_ =	shalt  }
0x4b: {  	_ =	shalt  }
0x4c: {  	_ =	shalt  }
0x4d: {  	_ =	shalt  }
0x4e: {  	_ =	shalt  }
0x4f: {  	_ =	shalt  }
0x50: {  	_ =	shalt  }
0x51: {  	_ =	shalt  }
0x52: {  	_ =	shalt  }
0x53: {  	_ =	shalt  }
0x54: {  	_ =	shalt  }
0x55: {  	_ =	shalt  }
0x56: {  	_ =	shalt  }
0x57: {  	_ =	shalt  }
0x58: {  	_ =	shalt  }
0x59: {  	_ =	shalt  }
0x5a: {  	_ =	shalt  }
0x5b: {  	_ =	shalt  }
0x5c: {  	_ =	shalt  }
0x5d: {  	_ =	shalt  }
0x5e: {  	_ =	shalt  }
0x5f: {  	_ =	shalt  }
0x60: {  	_ =	shalt  }
0x61: {  	_ =	shalt  }
0x62: {  	_ =	shalt  }
0x63: {  	_ =	shalt  }
0x64: {  	_ =	shalt  }
0x65: {  	_ =	shalt  }
0x66: {  	_ =	shalt  }
0x67: {  	_ =	shalt  }
0x68: {  	_ =	shalt  }
0x69: {  	_ =	shalt  }
0x6a: {  	_ =	shalt  }
0x6b: {  	_ =	shalt  }
0x6c: {  	_ =	shalt  }
0x6d: {  	_ =	shalt  }
0x6e: {  	_ =	shalt  }
0x6f: {  	_ =	shalt  }
0x70: {  	_ =	shalt  }
0x71: {  	_ =	shalt  }
0x72: {  	_ =	shalt  }
0x73: {  	_ =	shalt  }
0x74: {  	_ =	shalt  }
0x75: {  	_ =	shalt  }
0x76: {  	_ =	shalt  }
0x77: {  	_ =	shalt  }
0x78: {  	_ =	shalt  }
0x79: {  	_ =	shalt  }
0x7a: {  	_ =	shalt  }
0x7b: {  	_ =	shalt  }
0x7c: {  	_ =	shalt  }
0x7d: {  	_ =	shalt  }
0x7e: {  	_ =	shalt  }
0x7f: {  	_ =	shalt  }
0x80: {  	_ =	shalt  }
0x81: {  	_ =	shalt  }
0x82: {  	_ =	shalt  }
0x83: {  	_ =	shalt  }
0x84: {  	_ =	shalt  }
0x85: {  	_ =	shalt  }
0x86: {  	_ =	shalt  }
0x87: {  	_ =	shalt  }
.Lfunc_end0:
.L_simem_size_0:
called_computation.1_lowered:
.L_overlay_start_0:
0x88: {  	s2 =	sld [smem:$0x3FD9]  }
0x89: {  	s3 =	sld [smem:$0x3FFE];
	_ =	sdelay $0x1  }
0x8a: {  	s1 =	srdreg.scid  }
0x8b: {  	s0 =	sand.u32 $0x1, s1  }
0x8c: {  	s17 =	sshll.u32 s0, $0xA;
	s2 =	sadd.s32 s3, s2  }
0x8d: {  	s2 =	sadd.s32 s2, s17  }
0x8e: {  	[smem:$0x3FBE] =	sst s2  }
0x8f: {  	_ = 	snop  }
0x90: {  	s2 =	sld [smem:$0x3FD0];
	(tm) =	ssettm $0x1  }
0x91: {  	s18 =	sld [smem:$0x3FFB];
	_ =	sdelay $0x3  }
0x92: {  	_ =	strace s18  }
0x93: {  	s3 =	sld [smem:$0x3FFC];
	_ =	sdelay $0x3  }
0x94: {  	_ =	strace s3  }
0x95: {  	s3 =	sld [smem:$0x3FFD];
	_ =	sdelay $0x3  }
0x96: {  	_ =	strace s3  }
0x97: {  	_ =	strace $0x8FFFFFFF  }
0x98: {  	s19 =	sld [smem:$0x3FDB];
	_ =	sdelay $0x1  }
0x99: {  	s4 =	simm.s32 $_scs_section_size  }
0x9a: {  	s5 =	simm.s32 $_size__tile_overlayer_lowered;
	s6 =	simm.s32 $_tile_overlayer_lowered  }
0x9b: {  	s22 =	simm.s32 $0x1BFF;
	s21 =	sshll.u32 s6, $0x1;
	s3 =	sadd.s32 s4, s19  }
0x9c: {  	s7 =	simm.s32 $0x0;
	s20 =	sshll.u32 s5, $0x1;
	s5 =	sadd.s32 s21, s3  }
0x9d: {  	[timem:s7], [sflag:s22] =	dma.local [hbm:s5], s20  }
0x9e: {  	_ =	swait.ge [sflag:s22], s20  }
0x9f: {  	s4 =	ssub.s32 $0x0, s20;
	[sflag:s22] =	ssyncset.done $0x0  }
0xa0: {  	[sflag:s22] =	ssyncadd.s32 s4;
	_ =	sdelay $0x1  }
0xa1: {  	s23 =	simm.s32 $0x1B8B  }
0xa2: {  	_ =	swait.ge [sflag:s23], $0x1  }
0xa3: {  	[sflag:s23] =	ssyncset.done $0x0  }
0xa4: {  	s25 =	simm.s32 $0x1B8E;
	s24 =	sld [smem:$0x3FFE];
	[sflag:s23] =	ssyncadd.s32 $0xFFFFFFFF  }
0xa5: {  	s26 =	simm.s32 $execute0_lowered;
	[smem:$0x3FD2] =	sst s25  }
0xa6: {  	s5 =	sshll.u32 s26, $0x1;
	_ =	strace $0x80000049;
	[dreg:$0x1] =	wrdreg $0xFFFFFFFF  }
0xa7: {  	s28 =	simm.s32 $_size_execute0_lowered;
	s3 =	sadd.s32 s3, s5;
	[dreg:$0x0] =	wrdreg $0x0  }
0xa8: {  	s5 =	sshll.u32 s28, $0x1;
	[dreg:$0x2] =	wrdreg s3  }
0xa9: {  	[dreg:$0x3] =	wrdreg s5  }
0xaa: {  	[dreg:$0x4] =	wrdreg $0xC0  }
0xab: {  	_ =	task [dreg:s7], $0x5FFFF  }
0xac: {  	[dreg:$0x1] =	wrdreg $0xFFFFFFFF  }
0xad: {  	[dreg:$0x0] =	wrdreg $0x60  }
0xae: {  	[dreg:$0x2] =	wrdreg s24  }
0xaf: {  	[dreg:$0x3] =	wrdreg s2  }
0xb0: {  	[dreg:$0x4] =	wrdreg $0xBC200  }
0xb1: {  	[dreg:$0x5] =	wrdreg $0x9  }
0xb2: {  	_ =	task.clear_ibuf [dreg:s7], $0x6FFFF;
	_ =	strace $0x90000049  }
0xb3: {  	s29 =	simm.s32 $0x9;
	_ =	strace $0x8000004B  }
0xb4: {  	_ =	swait.ge [sflag:s29], $0x1  }
0xb5: {  	[sflag:s29] =	ssyncadd.s32 $0xFFFFFFFF  }
0xb6: {  	_ =	strace $0x9000004B  }
0xb7: {  	_ =	sfence  }
0xb8: {  	s30 =	sld [smem:$0x0];
	_ =	sdelay $0x2  }
0xb9: {  	s31 =	sshll.u32 s1, $0xD;
	s1 =	sshrl.u32 s1, $0x2  }
0xba: {  	s3 =	sand.u32 $0x4000, s31;
	s1 =	sadd.s32 s1, s30  }
0xbb: {  	s0 =	sor.u32 s3, s0;
	s1 =	sshll.u32 s1, $0x11  }
0xbc: {  	s0 =	sor.u32 s1, s0  }
0xbd: {  	s0 =	sadd.s32 $0x8F2B, s0  }
0xbe: {  	[sflag:s0] =	ssyncadd.remote.s32 $0x1  }
0xbf: {  	_ =	sfence.sel $0xFFFF  }
0xc0: {  	[dreg:$0x0] =	wrdreg $0xFFFFFFFF;
	(pc) =	sbr.abs _section_cstart, $3  }
0xc1: {  	[dreg:$0x1] =	wrdreg $0xFFFFFFFF  }
0xc2: {  	_ =	task.clear_ibuf [dreg:s7], $0x2FFFF;
	_ =	strace $0x9FFFFFFF  }
0xc3: {  	(tm) =	ssettm $0x7FFFFFFF  }
tec
execute0_lowered:
.L_overlay_start_1:
0x0: {  	(tag) =	ssettag $0x1  }
0x1: {  	s0 =	rddreg [dreg:$0x0]  }
0x2: {  	s1 =	rddreg [dreg:$0x1];
	s3 =	srdreg.scid  }
0x3: {  	s13 =	stileid.u32;
	s2 =	rddreg [dreg:$0x2];
	s14 =	simm.s32 $0x50  }
0x4: {  	s15 =	simm.s32 $0x4E20;
	s16 =	simm.s32 $0x8020;
	s17 =	simm.s32 $0x1  }
0x5: {  	s18 =	simm.s32 $0x3;
	s19 =	simm.s32 $0x6720;
	s20 =	simm.s32 $0x2760  }
0x6: {  	s21 =	simm.s32 $0x8520;
	s22 =	simm.s32 $0x8A20;
	s23 =	simm.s32 $0x2  }
0x7: {  	s29 =	simm.s32 $0xA320;
	s30 =	simm.s32 $0x5;
	s31 =	simm.s32 $0x6  }
0x8: {  	s6 =	sand.u32 $0x1, s3;
	s4 =	sshll.u32 s13, $0x1;
	s3 =	simm.s32 $0x0  }
0x9: {  	s7 =	smul.u32 $0xC350, s13;
	s5 =	sadd.s32 $0x22E00, s0;
	s26 =	sshll.u32 s13, $0x6  }
0xa: {  	s13 =	simm.s32 $0x2710;
	s4 =	sor.u32 s6, s4;
	s10 =	smul.u32 $0x186A0, s6  }
0xb: {  	[smem:$0x7FF] =	sst s3;
	s6 =	ssub.s32 $0x2, s6;
	s9 =	smul.u32 $0x4E2, s4  }
0xc: {  	_ =	strace $0x8000004A;
	s4 =	sadd.s32 $0xA600, s0;
	s24 =	sshrl.u32 s7, $0x3  }
0xd: {  	s25 =	sshrl.u32 s6, $0x1;
	s12 =	sadd.s32 s7, s2;
	s7 =	sor.u32 $0x1C07, s26  }
0xe: {  	s11 =	sadd.s32 s24, s0;
	s8 =	sadd.s32 s9, s0;
	s0 =	sadd.s32 s10, s0  }
0xf: {  	s10 =	ssub.s32 s6, s25;
	s28 =	sadd.s32 $0x27E00, s11;
	s9 =	sadd.s32 s1, s9  }
0x10: {  	s11 =	sshrl.u32 s12, $0x3;
	s12 =	simm.s32 $0x7;
	s25 =	simm.s32 $0x4  }
0x11: {  	s1 =	simm.s32 $0x0;
	[dreg:$0x4] =	wrdreg s28;
	s0 =	sadd.s32 $0x40600, s0  }
0x12: {  	s8 =	sadd.s32 $0x800, s8;
	s10 =	smax.u32 s10, $0x1;
	s24 =	sadd.s32 s24, s0  }
.LBB2_1:
0x13: {  	s0 =	rddreg [dreg:$0x4]  }
0x14: {  	[spmem:s11], [sflag:s7] =	dma.local [hbm:s0], $0x186A  }
0x15: {  	_ =	swait.ge [sflag:s12], $0x186A  }
0x16: {  	[sflag:s12] =	ssyncset.done $0x0  }
0x17: {  	[sflag:s12] =	ssyncadd.s32 $0xFFFFE796  }
0x18: {  	[tilespmem:s3], [sflag:$0x7] =	stream.linear.gather [hbm4b:s8+s3], $0x2710, $0x38;
	[tilespmem:$0x17F70] =	vst v63  }
0x19: {  	_ =	swait.ge [sflag:s12], $0x2710  }
0x1a: {  	[sflag:s12] =	ssyncset.done $0x0  }
0x1b: {  	[sflag:s12] =	ssyncadd.s32 $0xFFFFD8F0  }
0x1c: {  	[tilespmem:s13], [sflag:$0x7] =	stream.linear.gather [hbm4b:s9+s3], $0x2710, $0x38;
	[tilespmem:$0x17F70] =	vst v63  }
0x1d: {  	_ =	swait.ge [sflag:s12], $0x2710  }
0x1e: {  	[sflag:s12] =	ssyncset.done $0x0  }
0x1f: {  	[sflag:s12] =	ssyncadd.s32 $0xFFFFD8F0  }
0x20: {  	[bflag:$0x0] =	sbarrier.arrive $0xFFFF  }
0x21: {  	[tilespmem:s15], [sflag:$0x1] =	stream.indirect.gather [hbm4b:s4+s14], $0x50, s3, s14, $0xb8;
	[tilespmem:$0x17F70] =	vst v63  }
0x22: {  	_ = 	snop  }
0x23: {  	[tilespmem:s16], [sflag:$0x3] =	stream.indirect.gather [hbm4b:s5+s14], $0x10, s13, s14, $0xb8;
	[tilespmem:$0x17F70] =	vst v63  }
0x24: {  	_ =	swait.ge [sflag:s17], $0x1900  }
0x25: {  	[sflag:s17] =	ssyncset.done $0x0  }
0x26: {  	[sflag:s17] =	ssyncadd.s32 $0xFFFFE700  }
0x27: {  	_ =	swait.ge [sflag:s18], $0x500  }
0x28: {  	[sflag:s18] =	ssyncset.done $0x0  }
0x29: {  	[sflag:s18] =	ssyncadd.s32 $0xFFFFFB00  }
0x2a: {  	[tilespmem:s19], [sflag:$0x2] =	stream.indirect.gather [hbm4b:s4+s14], $0x50, s14, s14, $0xb8;
	[tilespmem:$0x17F70] =	vst v63  }
0x2b: {  	_ = 	snop  }
0x2c: {  	[tilespmem:s21], [sflag:$0x4] =	stream.indirect.gather [hbm4b:s5+s14], $0x10, s20, s14, $0xb8;
	[tilespmem:$0x17F70] =	vst v63  }
0x2d: {  	_ = 	snop  }
0x2e: {  	[spmem:s2] =	stream.indirect.scatter.add.f32 [tilespmem:s22], [sflag:$0x5], $0x50, s13, s14, $0xb8;
	[tilespmem:$0x17F70] =	vst v63  }
0x2f: {  	_ =	swait.ge [sflag:s23], $0x1900  }
0x30: {  	[sflag:s23] =	ssyncset.done $0x0  }
0x31: {  	[sflag:s23] =	ssyncadd.s32 $0xFFFFE700  }
0x32: {  	_ =	swait.ge [sflag:s25], $0x500  }
0x33: {  	[sflag:s25] =	ssyncset.done $0x0  }
0x34: {  	s28 =	simm.s32 $0xA0;
	[sflag:s25] =	ssyncadd.s32 $0xFFFFFB00  }
0x35: {  	[tilespmem:s15], [sflag:$0x1] =	stream.indirect.gather [hbm4b:s4+s14], $0x50, s28, s14, $0xb8;
	[tilespmem:$0x17F70] =	vst v63  }
0x36: {  	s6 =	simm.s32 $0x27B0  }
0x37: {  	[tilespmem:s16], [sflag:$0x3] =	stream.indirect.gather [hbm4b:s5+s14], $0x10, s6, s14, $0xb8;
	[tilespmem:$0x17F70] =	vst v63  }
0x38: {  	_ = 	snop  }
0x39: {  	[spmem:s2] =	stream.indirect.scatter.add.f32 [tilespmem:s29], [sflag:$0x6], $0x50, s20, s14, $0xb8;
	[tilespmem:$0x17F70] =	vst v63  }
0x3a: {  	_ =	swait.ge [sflag:s17], $0x1900  }
0x3b: {  	[sflag:s17] =	ssyncset.done $0x0  }
0x3c: {  	[sflag:s17] =	ssyncadd.s32 $0xFFFFE700  }
0x3d: {  	_ =	swait.ge [sflag:s18], $0x500  }
0x3e: {  	[sflag:s18] =	ssyncset.done $0x0  }
0x3f: {  	s26 =	simm.s32 $0xF0;
	[sflag:s18] =	ssyncadd.s32 $0xFFFFFB00  }
0x40: {  	[tilespmem:s19], [sflag:$0x2] =	stream.indirect.gather [hbm4b:s4+s14], $0x50, s26, s14, $0xb8;
	[tilespmem:$0x17F70] =	vst v63  }
0x41: {  	s26 =	simm.s32 $0x2800  }
0x42: {  	[tilespmem:s21], [sflag:$0x4] =	stream.indirect.gather [hbm4b:s5+s14], $0x10, s26, s14, $0xb8;
	[tilespmem:$0x17F70] =	vst v63  }
0x43: {  	_ =	swait.ge [sflag:s30], $0x1900  }
0x44: {  	[sflag:s30] =	ssyncset.done $0x0  }
0x45: {  	s28 =	simm.s32 $0x27B0;
	[sflag:s30] =	ssyncadd.s32 $0xFFFFE700  }
0x46: {  	[spmem:s2] =	stream.indirect.scatter.add.f32 [tilespmem:s22], [sflag:$0x5], $0x50, s28, s14, $0xb8;
	[tilespmem:$0x17F70] =	vst v63  }
0x47: {  	_ =	swait.ge [sflag:s23], $0x1900  }
0x48: {  	[sflag:s23] =	ssyncset.done $0x0  }
0x49: {  	[sflag:s23] =	ssyncadd.s32 $0xFFFFE700  }
0x4a: {  	_ =	swait.ge [sflag:s25], $0x500  }
0x4b: {  	[sflag:s25] =	ssyncset.done $0x0  }
0x4c: {  	s6 =	simm.s32 $0x140;
	[sflag:s25] =	ssyncadd.s32 $0xFFFFFB00  }
0x4d: {  	[tilespmem:s15], [sflag:$0x1] =	stream.indirect.gather [hbm4b:s4+s14], $0x50, s6, s14, $0xb8;
	[tilespmem:$0x17F70] =	vst v63  }
0x4e: {  	s28 =	simm.s32 $0x2850  }
0x4f: {  	[tilespmem:s16], [sflag:$0x3] =	stream.indirect.gather [hbm4b:s5+s14], $0x10, s28, s14, $0xb8;
	[tilespmem:$0x17F70] =	vst v63  }
0x50: {  	_ =	swait.ge [sflag:s31], $0x1900  }
0x51: {  	[sflag:s31] =	ssyncset.done $0x0  }
0x52: {  	s0 =	simm.s32 $0xFFFF6A00;
	[sflag:s31] =	ssyncadd.s32 $0xFFFFE700  }
.LBB2_2:
0x53: {  	[spmem:s2] =	stream.indirect.scatter.add.f32 [tilespmem:s29], [sflag:$0x6], $0x50, s26, s14, $0xb8;
	[tilespmem:$0x17F70] =	vst v63  }
0x54: {  	s26 =	smov.u32 s0;
	s0 =	sadd.s32 $0x280, s0;
	_ =	swait.ge [sflag:s17], $0x1900  }
0x55: {  	p0 =	sne.s32 s0, $0x0;
	[sflag:s17] =	ssyncset.done $0x0  }
0x56: {  	[sflag:s17] =	ssyncadd.s32 $0xFFFFE700  }
0x57: {  	_ =	swait.ge [sflag:s18], $0x500  }
0x58: {  	s28 =	sshra.s32 s26, $0x2;
	[sflag:s18] =	ssyncset.done $0x0  }
0x59: {  	s26 =	sadd.s32 $0x2710, s28;
	[sflag:s18] =	ssyncadd.s32 $0xFFFFFB00  }
0x5a: {  	[tilespmem:s19], [sflag:$0x2] =	stream.indirect.gather [hbm4b:s4+s14], $0x50, s26, s14, $0xb8;
	[tilespmem:$0x17F70] =	vst v63  }
0x5b: {  	s26 =	sadd.s32 $0x4E20, s28  }
0x5c: {  	[tilespmem:s21], [sflag:$0x4] =	stream.indirect.gather [hbm4b:s5+s14], $0x10, s26, s14, $0xb8;
	[tilespmem:$0x17F70] =	vst v63  }
0x5d: {  	_ =	swait.ge [sflag:s30], $0x1900  }
0x5e: {  	[sflag:s30] =	ssyncset.done $0x0  }
0x5f: {  	s6 =	sadd.s32 $0x4DD0, s28;
	[sflag:s30] =	ssyncadd.s32 $0xFFFFE700  }
0x60: {  	[spmem:s2] =	stream.indirect.scatter.add.f32 [tilespmem:s22], [sflag:$0x5], $0x50, s6, s14, $0xb8;
	[tilespmem:$0x17F70] =	vst v63  }
0x61: {  	_ =	swait.ge [sflag:s23], $0x1900  }
0x62: {  	[sflag:s23] =	ssyncset.done $0x0  }
0x63: {  	[sflag:s23] =	ssyncadd.s32 $0xFFFFE700  }
0x64: {  	_ =	swait.ge [sflag:s25], $0x500  }
0x65: {  	[sflag:s25] =	ssyncset.done $0x0  }
0x66: {  	s6 =	sadd.s32 $0x2760, s28;
	[sflag:s25] =	ssyncadd.s32 $0xFFFFFB00  }
0x67: {  	[tilespmem:s15], [sflag:$0x1] =	stream.indirect.gather [hbm4b:s4+s14], $0x50, s6, s14, $0xb8;
	[tilespmem:$0x17F70] =	vst v63  }
.Ltmp0:
0x68: {  	s6 =	sadd.s32 $0x4E70, s28;
	(pc) =	sbr.rel @p0 .LBB2_2-.Ltmp0, $4  }
0x69: {  	[tilespmem:s16], [sflag:$0x3] =	stream.indirect.gather [hbm4b:s5+s14], $0x10, s6, s14, $0xb8;
	[tilespmem:$0x17F70] =	vst v63  }
0x6a: {  	_ =	swait.ge [sflag:s31], $0x1900  }
0x6b: {  	[sflag:s31] =	ssyncset.done $0x0  }
0x6c: {  	[sflag:s31] =	ssyncadd.s32 $0xFFFFE700  }
0x6d: {  	[spmem:s2] =	stream.indirect.scatter.add.f32 [tilespmem:s29], [sflag:$0x6], $0x50, s26, s14, $0xb8;
	[tilespmem:$0x17F70] =	vst v63  }
0x6e: {  	_ =	swait.ge [sflag:s17], $0x1900  }
0x6f: {  	[sflag:s17] =	ssyncset.done $0x0  }
0x70: {  	[sflag:s17] =	ssyncadd.s32 $0xFFFFE700  }
0x71: {  	_ =	swait.ge [sflag:s18], $0x500  }
0x72: {  	[sflag:s18] =	ssyncset.done $0x0  }
0x73: {  	[sflag:s18] =	ssyncadd.s32 $0xFFFFFB00  }
0x74: {  	_ =	swait.ge [sflag:s30], $0x1900  }
0x75: {  	s0 =	sshra.s32 s0, $0x2;
	[sflag:s30] =	ssyncset.done $0x0  }
0x76: {  	s0 =	sadd.s32 $0x4DD0, s0;
	[sflag:s30] =	ssyncadd.s32 $0xFFFFE700  }
0x77: {  	[spmem:s2] =	stream.indirect.scatter.add.f32 [tilespmem:s22], [sflag:$0x5], $0x50, s0, s14, $0xb8;
	[tilespmem:$0x17F70] =	vst v63  }
0x78: {  	_ =	swait.ge [sflag:s30], $0x1900  }
0x79: {  	[sflag:s30] =	ssyncset.done $0x0  }
0x7a: {  	[sflag:s30] =	ssyncadd.s32 $0xFFFFE700  }
0x7b: {  	_ =	swait.ge [sflag:s31], $0x1900  }
0x7c: {  	s1 =	sadd.s32 $0x1, s1;
	[sflag:s31] =	ssyncset.done $0x0  }
0x7d: {  	p0 =	sne.s32 s1, s10;
	[sflag:s31] =	ssyncadd.s32 $0xFFFFE700  }
.Ltmp1:
0x7e: {  	[bflag:$0x0] =	sbarrier.arrive $0xFFFF;
	(pc) =	sbr.rel @p0 .LBB2_1-.Ltmp1, $4  }
0x7f: {  	[hbm:s24], [sflag:s7] =	dma.local [spmem:s11], $0x186A  }
0x80: {  	_ =	swait.ge [sflag:s12], $0x186A  }
0x81: {  	[sflag:s12] =	ssyncset.done $0x0  }
0x82: {  	[sflag:s12] =	ssyncadd.s32 $0xFFFFE796  }
0x83: {  	_ =	sfence.sel $0x180000  }
0x84: {  	[bflag:$0x0] =	sbarrier.arrive $0xFFFF  }
0x85: {  	_ =	strace $0x9000004A  }
0x86: {  	s0 =	stileid.u32;
	[bflag:$0x2] =	sbarrier.arrive $0xFFFF  }
0x87: {  	p0 =	sne.s32 s0, $0x0;
	s0 =	rddreg [dreg:$0x3]  }
0x88: {  	s0 =	sadd.s32 @!p0 $0x100000, s0  }
0x89: {  	[sflag:s0] =	ssyncadd.tile.s32 @!p0 $0x1;
	_ =	shalt  }
.Lfunc_end2:
_tile_overlayer_lowered:
.L_overlay_start_2:
0x8a: {  	(tag) =	ssettag $0x2  }
0x8b: {  	s0 =	rddreg [dreg:$0x0];
	s2 =	stileid.u32  }
0x8c: {  	s1 =	rddreg [dreg:$0x1];
	p0 =	sne.s32 s2, $0x0  }
0x8d: {  	s3 =	rddreg [dreg:$0x2];
	[bflag:$0x3] =	sbarrier.arrive $0xFFFF;
	s2 =	simm.s32 @!p0 $0x1C07  }
0x8e: {  	[timem:s3], [sflag:s2] =	dma.local @!p0 [hbm:s0], s1  }
0x8f: {  	s0 =	simm.s32 @!p0 $0x7  }
0x90: {  	_ =	swait.ge @!p0 [sflag:s0], s1  }
0x91: {  	s1 =	ssub.s32 @!p0 $0x0, s1;
	[sflag:s0] =	ssyncset.done @!p0 $0x0  }
0x92: {  	[sflag:s0] =	ssyncadd.s32 @!p0 s1  }
0x93: {  	[bflag:$0x3] =	sbarrier.arrive $0xFFFF  }
0x94: {  	_ =	shalt  }

// kernel: kernel.7.cloned.1.call-start
scs
__scs_entry_jumppad:
0x0: {  	(pc) =	sbr.rel $0x88, $3  }
0x1: {  	(tag) =	ssettag $0x0;
	lr =	simm.s32 $0x1  }
0x2: {  	[smem:$0x3F97] =	sst lr;
	_ =	strace $0xD0000000  }
0x3: {  	_ = 	snop  }
0x4: {  	_ = 	snop  }
0x5: {  	_ = 	snop  }
0x6: {  	_ = 	snop  }
0x7: {  	_ = 	snop  }
__scs_overlays_trampoline_lowered:
0x8: {  	[smem:$0x3FA6] =	sst s0  }
0x9: {  	[smem:$0x3FA7] =	sst s1  }
0xa: {  	[smem:$0x3FA8] =	sst s2  }
0xb: {  	[smem:$0x3FA9] =	sst s3  }
0xc: {  	[smem:$0x3FAA] =	sst s4  }
0xd: {  	[smem:$0x3FAB] =	sst s5  }
0xe: {  	[smem:$0x3FAC] =	sst s6  }
0xf: {  	[smem:$0x3FAD] =	sst s7  }
0x10: {  	[smem:$0x3FAE] =	sst s8  }
0x11: {  	[smem:$0x3FAF] =	sst s9;
	s0 =	simm.s32 @!p0 $0x0  }
0x12: {  	s1 =	sld [smem:$0x3F95];
	s0 =	simm.s32 @p0 $0x1  }
0x13: {  	[smem:$0x3FB0] =	sst s0;
	s0 =	simm.s32 @!p1 $0x0  }
0x14: {  	s2 =	sld [smem:$0x3F94];
	s0 =	simm.s32 @p1 $0x1  }
0x15: {  	[smem:$0x3FB1] =	sst s0;
	s0 =	simm.s32 @!p2 $0x0  }
0x16: {  	s3 =	sld [smem:$0x3FDB];
	s0 =	simm.s32 @p2 $0x1  }
0x17: {  	s4 =	simm.s32 $0x1BF5;
	[smem:$0x3FB3] =	sst s0  }
0x18: {  	s0 =	sld [smem:$0x3F96];
	_ =	swait.ge [sflag:s4], $0x0  }
0x19: {  	s7 =	sld [smem:$0x3F97]  }
0x1a: {  	s8 =	sadd.s32 $0xFFFFE003, lr  }
0x1b: {  	s9 =	sadd.s32 $0xFFFFFEF7, lr;
	s5 =	simm.s32 $0xFFFFFFFF;
	p2 =	slt.u32 s8, $0xFFFFF086  }
0x1c: {  	p1 =	slt.u32 s9, $0xF7A;
	s5 =	simm.s32 @!p2 $0x0  }
0x1d: {  	s5 =	simm.s32 @p1 $0x1;
	p0 =	seq.s32 s7, s2  }
0x1e: {  	s7 =	smul.u32 @!p0 $0xF7A, s2;
	p2 =	seq.s32 @!p0 s5, $0x0  }
0x1f: {  	s9 =	smul.u32 $0xF7A, s1;
	s8 =	simm.s32 @!p0 $0x1BF5;
	p2 =	por !p2, p0  }
0x20: {  	[sflag:s8] =	ssyncset.s32 @!p0 $0xFFFFF086;
	s6 =	sadd.s32 @!p0 s3, s7;
	s7 =	simm.s32 @!p0 $0x108  }
0x21: {  	s3 =	sadd.s32 s3, s9;
	s6 =	sadd.s32 @!p0 $0x88, s6;
	s7 =	simm.s32 @p2 $0x1082  }
0x22: {  	[simem:s7], [sflag:s8] =	dma.local @!p0 [hbm:s6], $0xF7A  }
0x23: {  	s9 =	sor.u32 $0xD0000000, s2;
	s6 =	simm.s32 $0x108;
	_ =	swait.ge @!p0 [sflag:s8], $0x0  }
0x24: {  	s3 =	sadd.s32 $0x88, s3;
	s6 =	simm.s32 @!p1 $0x1082;
	[sflag:s4] =	ssyncset.s32 $0xFFFFF086  }
0x25: {  	[simem:s6], [sflag:s4] =	dma.local [hbm:s3], $0xF7A  }
0x26: {  	[smem:$0x3F97] =	sst s1;
	(tag) =	ssettag s2;
	_ =	strace s9  }
0x27: {  	s1 =	sld [smem:$0x3FA7]  }
0x28: {  	s2 =	sld [smem:$0x3FA8]  }
0x29: {  	s4 =	sld [smem:$0x3FAA]  }
0x2a: {  	p0 =	seq.s32 s5, $0x0;
	s5 =	sld [smem:$0x3FAB]  }
0x2b: {  	s6 =	sld [smem:$0x3FAC]  }
0x2c: {  	s7 =	sld [smem:$0x3FAD]  }
0x2d: {  	s3 =	simm.s32 $0x108;
	s8 =	sld [smem:$0x3FAE]  }
0x2e: {  	s3 =	simm.s32 @!p0 $0x1082;
	s9 =	sld [smem:$0x3FAF]  }
0x2f: {  	lr =	sadd.s32 s0, s3;
	s0 =	sld [smem:$0x3FA6]  }
0x30: {  	s3 =	sld [smem:$0x3FA9]  }
0x31: {  	[smem:$0x3FB2] =	sst s10  }
0x32: {  	s10 =	sld [smem:$0x3FB0];
	_ =	sdelay $0x3  }
0x33: {  	p0 =	seq.s32 s10, $0x1;
	s10 =	sld [smem:$0x3FB2];
	_ =	sdelay $0x3  }
0x34: {  	[smem:$0x3FB2] =	sst s10  }
0x35: {  	s10 =	sld [smem:$0x3FB1];
	_ =	sdelay $0x3  }
0x36: {  	p1 =	seq.s32 s10, $0x1;
	s10 =	sld [smem:$0x3FB2];
	_ =	sdelay $0x3  }
0x37: {  	[smem:$0x3FB2] =	sst s10  }
0x38: {  	s10 =	sld [smem:$0x3FB3]  }
0x39: {  	_ = 	snop;
	(pc) =	sbr.ind lr, $3  }
0x3a: {  	_ = 	snop  }
0x3b: {  	_ = 	snop  }
0x3c: {  	p2 =	seq.s32 s10, $0x1;
	s10 =	sld [smem:$0x3FB2]  }
0x3d: {  	_ =	shalt  }
0x3e: {  	_ =	shalt  }
0x3f: {  	_ =	shalt  }
0x40: {  	_ =	shalt  }
0x41: {  	_ =	shalt  }
0x42: {  	_ =	shalt  }
0x43: {  	_ =	shalt  }
0x44: {  	_ =	shalt  }
0x45: {  	_ =	shalt  }
0x46: {  	_ =	shalt  }
0x47: {  	_ =	shalt  }
0x48: {  	_ =	shalt  }
0x49: {  	_ =	shalt  }
0x4a: {  	_ =	shalt  }
0x4b: {  	_ =	shalt  }
0x4c: {  	_ =	shalt  }
0x4d: {  	_ =	shalt  }
0x4e: {  	_ =	shalt  }
0x4f: {  	_ =	shalt  }
0x50: {  	_ =	shalt  }
0x51: {  	_ =	shalt  }
0x52: {  	_ =	shalt  }
0x53: {  	_ =	shalt  }
0x54: {  	_ =	shalt  }
0x55: {  	_ =	shalt  }
0x56: {  	_ =	shalt  }
0x57: {  	_ =	shalt  }
0x58: {  	_ =	shalt  }
0x59: {  	_ =	shalt  }
0x5a: {  	_ =	shalt  }
0x5b: {  	_ =	shalt  }
0x5c: {  	_ =	shalt  }
0x5d: {  	_ =	shalt  }
0x5e: {  	_ =	shalt  }
0x5f: {  	_ =	shalt  }
0x60: {  	_ =	shalt  }
0x61: {  	_ =	shalt  }
0x62: {  	_ =	shalt  }
0x63: {  	_ =	shalt  }
0x64: {  	_ =	shalt  }
0x65: {  	_ =	shalt  }
0x66: {  	_ =	shalt  }
0x67: {  	_ =	shalt  }
0x68: {  	_ =	shalt  }
0x69: {  	_ =	shalt  }
0x6a: {  	_ =	shalt  }
0x6b: {  	_ =	shalt  }
0x6c: {  	_ =	shalt  }
0x6d: {  	_ =	shalt  }
0x6e: {  	_ =	shalt  }
0x6f: {  	_ =	shalt  }
0x70: {  	_ =	shalt  }
0x71: {  	_ =	shalt  }
0x72: {  	_ =	shalt  }
0x73: {  	_ =	shalt  }
0x74: {  	_ =	shalt  }
0x75: {  	_ =	shalt  }
0x76: {  	_ =	shalt  }
0x77: {  	_ =	shalt  }
0x78: {  	_ =	shalt  }
0x79: {  	_ =	shalt  }
0x7a: {  	_ =	shalt  }
0x7b: {  	_ =	shalt  }
0x7c: {  	_ =	shalt  }
0x7d: {  	_ =	shalt  }
0x7e: {  	_ =	shalt  }
0x7f: {  	_ =	shalt  }
0x80: {  	_ =	shalt  }
0x81: {  	_ =	shalt  }
0x82: {  	_ =	shalt  }
0x83: {  	_ =	shalt  }
0x84: {  	_ =	shalt  }
0x85: {  	_ =	shalt  }
0x86: {  	_ =	shalt  }
0x87: {  	_ =	shalt  }
.Lfunc_end0:
.L_simem_size_0:
called_computation_lowered:
.L_overlay_start_0:
0x88: {  	s2 =	sld [smem:$0x3FD9]  }
0x89: {  	s3 =	sld [smem:$0x3FFE];
	_ =	sdelay $0x1  }
0x8a: {  	s1 =	srdreg.scid  }
0x8b: {  	s0 =	sand.u32 $0x1, s1  }
0x8c: {  	s17 =	sshll.u32 s0, $0xA;
	s2 =	sadd.s32 s3, s2  }
0x8d: {  	s2 =	sadd.s32 s2, s17  }
0x8e: {  	[smem:$0x3FBE] =	sst s2  }
0x8f: {  	_ = 	snop  }
0x90: {  	s2 =	sld [smem:$0x3FD0];
	(tm) =	ssettm $0x1  }
0x91: {  	s18 =	sld [smem:$0x3FFB];
	_ =	sdelay $0x3  }
0x92: {  	_ =	strace s18  }
0x93: {  	s3 =	sld [smem:$0x3FFC];
	_ =	sdelay $0x3  }
0x94: {  	_ =	strace s3  }
0x95: {  	s3 =	sld [smem:$0x3FFD];
	_ =	sdelay $0x3  }
0x96: {  	_ =	strace s3  }
0x97: {  	_ =	strace $0x8FFFFFFF  }
0x98: {  	s19 =	sld [smem:$0x3FDB];
	_ =	sdelay $0x1  }
0x99: {  	s4 =	simm.s32 $_scs_section_size  }
0x9a: {  	s5 =	simm.s32 $_size__tile_overlayer_lowered;
	s6 =	simm.s32 $_tile_overlayer_lowered  }
0x9b: {  	s22 =	simm.s32 $0x1BFF;
	s21 =	sshll.u32 s6, $0x1;
	s3 =	sadd.s32 s4, s19  }
0x9c: {  	s7 =	simm.s32 $0x0;
	s20 =	sshll.u32 s5, $0x1;
	s5 =	sadd.s32 s21, s3  }
0x9d: {  	[timem:s7], [sflag:s22] =	dma.local [hbm:s5], s20  }
0x9e: {  	_ =	swait.ge [sflag:s22], s20  }
0x9f: {  	s4 =	ssub.s32 $0x0, s20;
	[sflag:s22] =	ssyncset.done $0x0  }
0xa0: {  	[sflag:s22] =	ssyncadd.s32 s4;
	_ =	sdelay $0x1  }
0xa1: {  	s23 =	simm.s32 $0x1B8B  }
0xa2: {  	_ =	swait.ge [sflag:s23], $0x1  }
0xa3: {  	[sflag:s23] =	ssyncset.done $0x0  }
0xa4: {  	s25 =	simm.s32 $0x1B8E;
	s24 =	sld [smem:$0x3FFE];
	[sflag:s23] =	ssyncadd.s32 $0xFFFFFFFF  }
0xa5: {  	s26 =	simm.s32 $execute0_lowered;
	[smem:$0x3FD2] =	sst s25  }
0xa6: {  	s5 =	sshll.u32 s26, $0x1;
	_ =	strace $0x80000046;
	[dreg:$0x1] =	wrdreg $0xFFFFFFFF  }
0xa7: {  	s28 =	simm.s32 $_size_execute0_lowered;
	s3 =	sadd.s32 s3, s5;
	[dreg:$0x0] =	wrdreg $0x0  }
0xa8: {  	s5 =	sshll.u32 s28, $0x1;
	[dreg:$0x2] =	wrdreg s3  }
0xa9: {  	[dreg:$0x3] =	wrdreg s5  }
0xaa: {  	[dreg:$0x4] =	wrdreg $0xC0  }
0xab: {  	_ =	task [dreg:s7], $0x5FFFF  }
0xac: {  	[dreg:$0x1] =	wrdreg $0xFFFFFFFF  }
0xad: {  	[dreg:$0x0] =	wrdreg $0x60  }
0xae: {  	[dreg:$0x2] =	wrdreg s24  }
0xaf: {  	[dreg:$0x3] =	wrdreg s2  }
0xb0: {  	[dreg:$0x4] =	wrdreg $0xBC200  }
0xb1: {  	[dreg:$0x5] =	wrdreg $0x9  }
0xb2: {  	_ =	task.clear_ibuf [dreg:s7], $0x6FFFF;
	_ =	strace $0x90000046  }
0xb3: {  	s29 =	simm.s32 $0x9;
	_ =	strace $0x80000048  }
0xb4: {  	_ =	swait.ge [sflag:s29], $0x1  }
0xb5: {  	[sflag:s29] =	ssyncadd.s32 $0xFFFFFFFF  }
0xb6: {  	_ =	strace $0x90000048  }
0xb7: {  	_ =	sfence  }
0xb8: {  	s30 =	sld [smem:$0x0];
	_ =	sdelay $0x2  }
0xb9: {  	s31 =	sshll.u32 s1, $0xD;
	s1 =	sshrl.u32 s1, $0x2  }
0xba: {  	s3 =	sand.u32 $0x4000, s31;
	s1 =	sadd.s32 s1, s30  }
0xbb: {  	s0 =	sor.u32 s3, s0;
	s1 =	sshll.u32 s1, $0x11  }
0xbc: {  	s0 =	sor.u32 s1, s0  }
0xbd: {  	s0 =	sadd.s32 $0x8F2B, s0  }
0xbe: {  	[sflag:s0] =	ssyncadd.remote.s32 $0x1  }
0xbf: {  	_ =	sfence.sel $0xFFFF  }
0xc0: {  	[dreg:$0x0] =	wrdreg $0xFFFFFFFF;
	(pc) =	sbr.abs _section_cstart, $3  }
0xc1: {  	[dreg:$0x1] =	wrdreg $0xFFFFFFFF  }
0xc2: {  	_ =	task.clear_ibuf [dreg:s7], $0x2FFFF;
	_ =	strace $0x9FFFFFFF  }
0xc3: {  	(tm) =	ssettm $0x7FFFFFFF  }
tec
execute0_lowered:
.L_overlay_start_1:
0x0: {  	(tag) =	ssettag $0x1  }
0x1: {  	s0 =	rddreg [dreg:$0x0]  }
0x2: {  	s1 =	rddreg [dreg:$0x1];
	s3 =	srdreg.scid  }
0x3: {  	s13 =	stileid.u32;
	s2 =	rddreg [dreg:$0x2];
	s14 =	simm.s32 $0x50  }
0x4: {  	s15 =	simm.s32 $0x4E20;
	s16 =	simm.s32 $0x8020;
	s17 =	simm.s32 $0x1  }
0x5: {  	s18 =	simm.s32 $0x3;
	s19 =	simm.s32 $0x6720;
	s20 =	simm.s32 $0x2760  }
0x6: {  	s21 =	simm.s32 $0x8520;
	s22 =	simm.s32 $0x8A20;
	s23 =	simm.s32 $0x2  }
0x7: {  	s29 =	simm.s32 $0xA320;
	s30 =	simm.s32 $0x5;
	s31 =	simm.s32 $0x6  }
0x8: {  	s6 =	sand.u32 $0x1, s3;
	s4 =	sshll.u32 s13, $0x1;
	s3 =	simm.s32 $0x0  }
0x9: {  	s7 =	smul.u32 $0xC350, s13;
	s5 =	sadd.s32 $0x22E00, s0;
	s26 =	sshll.u32 s13, $0x6  }
0xa: {  	s13 =	simm.s32 $0x2710;
	s4 =	sor.u32 s6, s4;
	s10 =	smul.u32 $0x186A0, s6  }
0xb: {  	[smem:$0x7FF] =	sst s3;
	s6 =	ssub.s32 $0x2, s6;
	s9 =	smul.u32 $0x4E2, s4  }
0xc: {  	_ =	strace $0x80000047;
	s4 =	sadd.s32 $0xA600, s0;
	s24 =	sshrl.u32 s7, $0x3  }
0xd: {  	s25 =	sshrl.u32 s6, $0x1;
	s12 =	sadd.s32 s7, s2;
	s7 =	sor.u32 $0x1C07, s26  }
0xe: {  	s11 =	sadd.s32 s24, s0;
	s8 =	sadd.s32 s9, s0;
	s0 =	sadd.s32 s10, s0  }
0xf: {  	s10 =	ssub.s32 s6, s25;
	s28 =	sadd.s32 $0x27E00, s11;
	s9 =	sadd.s32 s1, s9  }
0x10: {  	s11 =	sshrl.u32 s12, $0x3;
	s12 =	simm.s32 $0x7;
	s25 =	simm.s32 $0x4  }
0x11: {  	s1 =	simm.s32 $0x0;
	[dreg:$0x4] =	wrdreg s28;
	s0 =	sadd.s32 $0x40600, s0  }
0x12: {  	s8 =	sadd.s32 $0x800, s8;
	s10 =	smax.u32 s10, $0x1;
	s24 =	sadd.s32 s24, s0  }
.LBB2_1:
0x13: {  	s0 =	rddreg [dreg:$0x4]  }
0x14: {  	[spmem:s11], [sflag:s7] =	dma.local [hbm:s0], $0x186A  }
0x15: {  	_ =	swait.ge [sflag:s12], $0x186A  }
0x16: {  	[sflag:s12] =	ssyncset.done $0x0  }
0x17: {  	[sflag:s12] =	ssyncadd.s32 $0xFFFFE796  }
0x18: {  	[tilespmem:s3], [sflag:$0x7] =	stream.linear.gather [hbm4b:s8+s3], $0x2710, $0x38;
	[tilespmem:$0x17F70] =	vst v63  }
0x19: {  	_ =	swait.ge [sflag:s12], $0x2710  }
0x1a: {  	[sflag:s12] =	ssyncset.done $0x0  }
0x1b: {  	[sflag:s12] =	ssyncadd.s32 $0xFFFFD8F0  }
0x1c: {  	[tilespmem:s13], [sflag:$0x7] =	stream.linear.gather [hbm4b:s9+s3], $0x2710, $0x38;
	[tilespmem:$0x17F70] =	vst v63  }
0x1d: {  	_ =	swait.ge [sflag:s12], $0x2710  }
0x1e: {  	[sflag:s12] =	ssyncset.done $0x0  }
0x1f: {  	[sflag:s12] =	ssyncadd.s32 $0xFFFFD8F0  }
0x20: {  	[bflag:$0x0] =	sbarrier.arrive $0xFFFF  }
0x21: {  	[tilespmem:s15], [sflag:$0x1] =	stream.indirect.gather [hbm4b:s4+s14], $0x50, s3, s14, $0xb8;
	[tilespmem:$0x17F70] =	vst v63  }
0x22: {  	_ = 	snop  }
0x23: {  	[tilespmem:s16], [sflag:$0x3] =	stream.indirect.gather [hbm4b:s5+s14], $0x10, s13, s14, $0xb8;
	[tilespmem:$0x17F70] =	vst v63  }
0x24: {  	_ =	swait.ge [sflag:s17], $0x1900  }
0x25: {  	[sflag:s17] =	ssyncset.done $0x0  }
0x26: {  	[sflag:s17] =	ssyncadd.s32 $0xFFFFE700  }
0x27: {  	_ =	swait.ge [sflag:s18], $0x500  }
0x28: {  	[sflag:s18] =	ssyncset.done $0x0  }
0x29: {  	[sflag:s18] =	ssyncadd.s32 $0xFFFFFB00  }
0x2a: {  	[tilespmem:s19], [sflag:$0x2] =	stream.indirect.gather [hbm4b:s4+s14], $0x50, s14, s14, $0xb8;
	[tilespmem:$0x17F70] =	vst v63  }
0x2b: {  	_ = 	snop  }
0x2c: {  	[tilespmem:s21], [sflag:$0x4] =	stream.indirect.gather [hbm4b:s5+s14], $0x10, s20, s14, $0xb8;
	[tilespmem:$0x17F70] =	vst v63  }
0x2d: {  	_ = 	snop  }
0x2e: {  	[spmem:s2] =	stream.indirect.scatter.add.f32 [tilespmem:s22], [sflag:$0x5], $0x50, s13, s14, $0xb8;
	[tilespmem:$0x17F70] =	vst v63  }
0x2f: {  	_ =	swait.ge [sflag:s23], $0x1900  }
0x30: {  	[sflag:s23] =	ssyncset.done $0x0  }
0x31: {  	[sflag:s23] =	ssyncadd.s32 $0xFFFFE700  }
0x32: {  	_ =	swait.ge [sflag:s25], $0x500  }
0x33: {  	[sflag:s25] =	ssyncset.done $0x0  }
0x34: {  	s28 =	simm.s32 $0xA0;
	[sflag:s25] =	ssyncadd.s32 $0xFFFFFB00  }
0x35: {  	[tilespmem:s15], [sflag:$0x1] =	stream.indirect.gather [hbm4b:s4+s14], $0x50, s28, s14, $0xb8;
	[tilespmem:$0x17F70] =	vst v63  }
0x36: {  	s6 =	simm.s32 $0x27B0  }
0x37: {  	[tilespmem:s16], [sflag:$0x3] =	stream.indirect.gather [hbm4b:s5+s14], $0x10, s6, s14, $0xb8;
	[tilespmem:$0x17F70] =	vst v63  }
0x38: {  	_ = 	snop  }
0x39: {  	[spmem:s2] =	stream.indirect.scatter.add.f32 [tilespmem:s29], [sflag:$0x6], $0x50, s20, s14, $0xb8;
	[tilespmem:$0x17F70] =	vst v63  }
0x3a: {  	_ =	swait.ge [sflag:s17], $0x1900  }
0x3b: {  	[sflag:s17] =	ssyncset.done $0x0  }
0x3c: {  	[sflag:s17] =	ssyncadd.s32 $0xFFFFE700  }
0x3d: {  	_ =	swait.ge [sflag:s18], $0x500  }
0x3e: {  	[sflag:s18] =	ssyncset.done $0x0  }
0x3f: {  	s26 =	simm.s32 $0xF0;
	[sflag:s18] =	ssyncadd.s32 $0xFFFFFB00  }
0x40: {  	[tilespmem:s19], [sflag:$0x2] =	stream.indirect.gather [hbm4b:s4+s14], $0x50, s26, s14, $0xb8;
	[tilespmem:$0x17F70] =	vst v63  }
0x41: {  	s26 =	simm.s32 $0x2800  }
0x42: {  	[tilespmem:s21], [sflag:$0x4] =	stream.indirect.gather [hbm4b:s5+s14], $0x10, s26, s14, $0xb8;
	[tilespmem:$0x17F70] =	vst v63  }
0x43: {  	_ =	swait.ge [sflag:s30], $0x1900  }
0x44: {  	[sflag:s30] =	ssyncset.done $0x0  }
0x45: {  	s28 =	simm.s32 $0x27B0;
	[sflag:s30] =	ssyncadd.s32 $0xFFFFE700  }
0x46: {  	[spmem:s2] =	stream.indirect.scatter.add.f32 [tilespmem:s22], [sflag:$0x5], $0x50, s28, s14, $0xb8;
	[tilespmem:$0x17F70] =	vst v63  }
0x47: {  	_ =	swait.ge [sflag:s23], $0x1900  }
0x48: {  	[sflag:s23] =	ssyncset.done $0x0  }
0x49: {  	[sflag:s23] =	ssyncadd.s32 $0xFFFFE700  }
0x4a: {  	_ =	swait.ge [sflag:s25], $0x500  }
0x4b: {  	[sflag:s25] =	ssyncset.done $0x0  }
0x4c: {  	s6 =	simm.s32 $0x140;
	[sflag:s25] =	ssyncadd.s32 $0xFFFFFB00  }
0x4d: {  	[tilespmem:s15], [sflag:$0x1] =	stream.indirect.gather [hbm4b:s4+s14], $0x50, s6, s14, $0xb8;
	[tilespmem:$0x17F70] =	vst v63  }
0x4e: {  	s28 =	simm.s32 $0x2850  }
0x4f: {  	[tilespmem:s16], [sflag:$0x3] =	stream.indirect.gather [hbm4b:s5+s14], $0x10, s28, s14, $0xb8;
	[tilespmem:$0x17F70] =	vst v63  }
0x50: {  	_ =	swait.ge [sflag:s31], $0x1900  }
0x51: {  	[sflag:s31] =	ssyncset.done $0x0  }
0x52: {  	s0 =	simm.s32 $0xFFFF6A00;
	[sflag:s31] =	ssyncadd.s32 $0xFFFFE700  }
.LBB2_2:
0x53: {  	[spmem:s2] =	stream.indirect.scatter.add.f32 [tilespmem:s29], [sflag:$0x6], $0x50, s26, s14, $0xb8;
	[tilespmem:$0x17F70] =	vst v63  }
0x54: {  	s26 =	smov.u32 s0;
	s0 =	sadd.s32 $0x280, s0;
	_ =	swait.ge [sflag:s17], $0x1900  }
0x55: {  	p0 =	sne.s32 s0, $0x0;
	[sflag:s17] =	ssyncset.done $0x0  }
0x56: {  	[sflag:s17] =	ssyncadd.s32 $0xFFFFE700  }
0x57: {  	_ =	swait.ge [sflag:s18], $0x500  }
0x58: {  	s28 =	sshra.s32 s26, $0x2;
	[sflag:s18] =	ssyncset.done $0x0  }
0x59: {  	s26 =	sadd.s32 $0x2710, s28;
	[sflag:s18] =	ssyncadd.s32 $0xFFFFFB00  }
0x5a: {  	[tilespmem:s19], [sflag:$0x2] =	stream.indirect.gather [hbm4b:s4+s14], $0x50, s26, s14, $0xb8;
	[tilespmem:$0x17F70] =	vst v63  }
0x5b: {  	s26 =	sadd.s32 $0x4E20, s28  }
0x5c: {  	[tilespmem:s21], [sflag:$0x4] =	stream.indirect.gather [hbm4b:s5+s14], $0x10, s26, s14, $0xb8;
	[tilespmem:$0x17F70] =	vst v63  }
0x5d: {  	_ =	swait.ge [sflag:s30], $0x1900  }
0x5e: {  	[sflag:s30] =	ssyncset.done $0x0  }
0x5f: {  	s6 =	sadd.s32 $0x4DD0, s28;
	[sflag:s30] =	ssyncadd.s32 $0xFFFFE700  }
0x60: {  	[spmem:s2] =	stream.indirect.scatter.add.f32 [tilespmem:s22], [sflag:$0x5], $0x50, s6, s14, $0xb8;
	[tilespmem:$0x17F70] =	vst v63  }
0x61: {  	_ =	swait.ge [sflag:s23], $0x1900  }
0x62: {  	[sflag:s23] =	ssyncset.done $0x0  }
0x63: {  	[sflag:s23] =	ssyncadd.s32 $0xFFFFE700  }
0x64: {  	_ =	swait.ge [sflag:s25], $0x500  }
0x65: {  	[sflag:s25] =	ssyncset.done $0x0  }
0x66: {  	s6 =	sadd.s32 $0x2760, s28;
	[sflag:s25] =	ssyncadd.s32 $0xFFFFFB00  }
0x67: {  	[tilespmem:s15], [sflag:$0x1] =	stream.indirect.gather [hbm4b:s4+s14], $0x50, s6, s14, $0xb8;
	[tilespmem:$0x17F70] =	vst v63  }
.Ltmp0:
0x68: {  	s6 =	sadd.s32 $0x4E70, s28;
	(pc) =	sbr.rel @p0 .LBB2_2-.Ltmp0, $4  }
0x69: {  	[tilespmem:s16], [sflag:$0x3] =	stream.indirect.gather [hbm4b:s5+s14], $0x10, s6, s14, $0xb8;
	[tilespmem:$0x17F70] =	vst v63  }
0x6a: {  	_ =	swait.ge [sflag:s31], $0x1900  }
0x6b: {  	[sflag:s31] =	ssyncset.done $0x0  }
0x6c: {  	[sflag:s31] =	ssyncadd.s32 $0xFFFFE700  }
0x6d: {  	[spmem:s2] =	stream.indirect.scatter.add.f32 [tilespmem:s29], [sflag:$0x6], $0x50, s26, s14, $0xb8;
	[tilespmem:$0x17F70] =	vst v63  }
0x6e: {  	_ =	swait.ge [sflag:s17], $0x1900  }
0x6f: {  	[sflag:s17] =	ssyncset.done $0x0  }
0x70: {  	[sflag:s17] =	ssyncadd.s32 $0xFFFFE700  }
0x71: {  	_ =	swait.ge [sflag:s18], $0x500  }
0x72: {  	[sflag:s18] =	ssyncset.done $0x0  }
0x73: {  	[sflag:s18] =	ssyncadd.s32 $0xFFFFFB00  }
0x74: {  	_ =	swait.ge [sflag:s30], $0x1900  }
0x75: {  	s0 =	sshra.s32 s0, $0x2;
	[sflag:s30] =	ssyncset.done $0x0  }
0x76: {  	s0 =	sadd.s32 $0x4DD0, s0;
	[sflag:s30] =	ssyncadd.s32 $0xFFFFE700  }
0x77: {  	[spmem:s2] =	stream.indirect.scatter.add.f32 [tilespmem:s22], [sflag:$0x5], $0x50, s0, s14, $0xb8;
	[tilespmem:$0x17F70] =	vst v63  }
0x78: {  	_ =	swait.ge [sflag:s30], $0x1900  }
0x79: {  	[sflag:s30] =	ssyncset.done $0x0  }
0x7a: {  	[sflag:s30] =	ssyncadd.s32 $0xFFFFE700  }
0x7b: {  	_ =	swait.ge [sflag:s31], $0x1900  }
0x7c: {  	s1 =	sadd.s32 $0x1, s1;
	[sflag:s31] =	ssyncset.done $0x0  }
0x7d: {  	p0 =	sne.s32 s1, s10;
	[sflag:s31] =	ssyncadd.s32 $0xFFFFE700  }
.Ltmp1:
0x7e: {  	[bflag:$0x0] =	sbarrier.arrive $0xFFFF;
	(pc) =	sbr.rel @p0 .LBB2_1-.Ltmp1, $4  }
0x7f: {  	[hbm:s24], [sflag:s7] =	dma.local [spmem:s11], $0x186A  }
0x80: {  	_ =	swait.ge [sflag:s12], $0x186A  }
0x81: {  	[sflag:s12] =	ssyncset.done $0x0  }
0x82: {  	[sflag:s12] =	ssyncadd.s32 $0xFFFFE796  }
0x83: {  	_ =	sfence.sel $0x180000  }
0x84: {  	[bflag:$0x0] =	sbarrier.arrive $0xFFFF  }
0x85: {  	_ =	strace $0x90000047  }
0x86: {  	s0 =	stileid.u32;
	[bflag:$0x2] =	sbarrier.arrive $0xFFFF  }
0x87: {  	p0 =	sne.s32 s0, $0x0;
	s0 =	rddreg [dreg:$0x3]  }
0x88: {  	s0 =	sadd.s32 @!p0 $0x100000, s0  }
0x89: {  	[sflag:s0] =	ssyncadd.tile.s32 @!p0 $0x1;
	_ =	shalt  }
.Lfunc_end2:
_tile_overlayer_lowered:
.L_overlay_start_2:
0x8a: {  	(tag) =	ssettag $0x2  }
0x8b: {  	s0 =	rddreg [dreg:$0x0];
	s2 =	stileid.u32  }
0x8c: {  	s1 =	rddreg [dreg:$0x1];
	p0 =	sne.s32 s2, $0x0  }
0x8d: {  	s3 =	rddreg [dreg:$0x2];
	[bflag:$0x3] =	sbarrier.arrive $0xFFFF;
	s2 =	simm.s32 @!p0 $0x1C07  }
0x8e: {  	[timem:s3], [sflag:s2] =	dma.local @!p0 [hbm:s0], s1  }
0x8f: {  	s0 =	simm.s32 @!p0 $0x7  }
0x90: {  	_ =	swait.ge @!p0 [sflag:s0], s1  }
0x91: {  	s1 =	ssub.s32 @!p0 $0x0, s1;
	[sflag:s0] =	ssyncset.done @!p0 $0x0  }
0x92: {  	[sflag:s0] =	ssyncadd.s32 @!p0 s1  }
0x93: {  	[bflag:$0x3] =	sbarrier.arrive $0xFFFF  }
0x94: {  	_ =	shalt  }

</sc_bundles>
